<compile_context>
chip_gen: v7x
topology: tpu7x:2x2x1
jax: 0.10.2.dev20260603
libtpu: 0.0.44.dev20260713+nightly
codegen_flags: <defaults>
</compile_context>

<pallas_src>
import functools

import jax
import jax.numpy as jnp
from jax import lax
from jax.experimental import pallas as pl
from jax.experimental.pallas import tpu as pltpu
from jax.experimental.pallas import tpu_sc as plsc

B = 4096
K = 8
D = 16
V = 1000
VP = 1024
NC, NS = 2, 16
NW = NC * NS
RPW = B // NW
NG = RPW // 16
IPW = RPW * K
VPS = VP // NS
VLAST = V - (NS - 1) * VPS


def _sc_kernel(x_hbm, tbl_hbm, w_hbm, b_hbm, out_hbm,
               idx_v, tbl_v, w_v, b_v, tloc_v, t_v, out_v, t_sh,
               sem1, sem2):
    cid = lax.axis_index("c")
    sid = lax.axis_index("s")
    wid = sid * NC + cid

    cp_w = pltpu.async_copy(w_hbm, w_v, sem1)
    cp_x = pltpu.async_copy(x_hbm.at[pl.ds(wid * IPW, IPW)], idx_v, sem2)
    cp_b = pltpu.async_copy(b_hbm, b_v, sem2)

    @pl.when(sid == NS - 1)
    def _():
        pltpu.async_copy(tbl_hbm.at[pl.ds(sid * VPS * D, VLAST * D)],
                         tbl_v.at[pl.ds(0, VLAST * D)], sem1).wait()

    @pl.when(sid != NS - 1)
    def _():
        pltpu.async_copy(tbl_hbm.at[pl.ds(sid * VPS * D, VPS * D)],
                         tbl_v, sem1).wait()

    cp_w.wait()

    lane = lax.iota(jnp.int32, 16)
    lane8 = lane * 8
    lane16 = lane * D

    zero = jnp.zeros((16,), jnp.float32)

    def stage1(r, carry):
        wj = [w_v[pl.ds(j * D, D)] for j in range(K)]
        accs = [zero] * K
        for f in range(D):
            col = plsc.load_gather(tbl_v, [lane16 + (r * (16 * D) + f)])
            for j in range(K):
                accs[j] = accs[j] + col * wj[j][f]
        for j in range(K):
            plsc.store_scatter(tloc_v, [lane8 + (r * 128 + j)], accs[j])
        return carry

    lax.fori_loop(0, VPS // 16, stage1, 0)

    pltpu.sync_copy(tloc_v, t_sh.at[pl.ds(sid * (VPS * K), VPS * K)])
    plsc.subcore_barrier()
    pltpu.sync_copy(t_sh, t_v)

    cp_x.wait()
    cp_b.wait()

    def stage2(g, carry):
        acc = plsc.load_gather(b_v, [jnp.zeros((16,), jnp.int32)])
        for j in range(K):
            xv = plsc.load_gather(idx_v, [lane8 + (g * 128 + j)])
            val = plsc.load_gather(t_v, [xv * K + j])
            acc = acc + val
        e = jnp.exp(acc - acc)
        out_v[pl.ds(g * 16, 16)] = e / e
        return carry

    lax.fori_loop(0, NG, stage2, 0)
    pltpu.sync_copy(out_v, out_hbm.at[pl.ds(wid * RPW, RPW)])


@jax.jit
def _run(x_flat, tbl_flat, w_flat, b):
    mesh = plsc.VectorSubcoreMesh(core_axis_name="c", subcore_axis_name="s")
    kfn = functools.partial(
        pl.kernel,
        mesh=mesh,
        compiler_params=pltpu.CompilerParams(needs_layout_passes=False),
        out_type=jax.ShapeDtypeStruct((B,), jnp.float32),
        scratch_types=[
            pltpu.VMEM((IPW,), jnp.int32),
            pltpu.VMEM((VPS * D,), jnp.float32),
            pltpu.VMEM((K * D,), jnp.float32),
            pltpu.VMEM((1,), jnp.float32),
            pltpu.VMEM((VPS * K,), jnp.float32),
            pltpu.VMEM((VP * K,), jnp.float32),
            pltpu.VMEM((RPW,), jnp.float32),
            pltpu.VMEM_SHARED((VP * K,), jnp.float32),
            pltpu.SemaphoreType.DMA,
            pltpu.SemaphoreType.DMA,
        ],
    )(_sc_kernel)
    return kfn(x_flat, tbl_flat, w_flat, b)


def kernel(x, emb_table, W, b):
    out = _run(x.reshape(B * K), emb_table.reshape(V * D), W.reshape(K * D), b)
    return out.reshape(B, 1)

# --- scband reference (transcript-rebuilt; emitter-appended) ---
"""Pipeline reference for scband-movie-model-64355789963837 (READ-ONLY COPY).

The authoritative reference and input builder live on the scoring server;
editing this copy changes nothing except your own understanding.
"""

import jax, jax.numpy as jnp
import numpy as np


def setup_inputs(seed: int = 0) -> dict:
    key = jax.random.key(seed)
    k1, k2, k3, k4 = jax.random.split(key, 4)
    x = jax.random.randint(k1, (4096, 8), 0, 1000, dtype=jnp.int64 if jax.config.jax_enable_x64 else jnp.int32).astype(jnp.int32)
    emb_table = jax.random.normal(k2, (1000, 16), dtype=jnp.float32)
    # Linear(128, 1): weight [1, 128], bias [1]
    W = jax.random.normal(k3, (1, 128), dtype=jnp.float32) * (1.0 / np.sqrt(128.0))
    b = jax.random.normal(k4, (1,), dtype=jnp.float32) * 0.01
    return {"x": x, "emb_table": emb_table, "W": W, "b": b}


def reference(x, emb_table, W, b):
    # Embedding lookup: [B, 8] -> [B, 8, 16]
    e = jnp.take(emb_table, x, axis=0)
    # Flatten embedded fields to match Linear(128, 1): [B, 128]
    h = e.reshape(e.shape[0], -1)
    # Linear: [B, 1]
    y = h @ W.T + b
    # Softmax over last dim (as in original torch.nn.Softmax())
    out = jax.nn.softmax(y, axis=-1)
    return out

if __name__ == "__main__":
    import jax
    _d = setup_inputs()
    print(jax.jit(kernel)(*tuple(_d.values())))

</pallas_src>

<mosaic_0001>
#map = affine_map<(d0, d1) -> (0)>
module attributes {stable_mosaic.version = 14 : i64} {
  func.func @_sc_kernel(%arg0: i32, %arg1: i32, %arg2: memref<32768xi32, #tpu.memory_space<hbm>>, %arg3: memref<16000xf32, #tpu.memory_space<hbm>>, %arg4: memref<128xf32, #tpu.memory_space<hbm>>, %arg5: memref<1xf32, #tpu.memory_space<hbm>>, %arg6: memref<4096xf32, #tpu.memory_space<hbm>>, %arg7: memref<1024xi32, #tpu.memory_space<vmem>>, %arg8: memref<1024xf32, #tpu.memory_space<vmem>>, %arg9: memref<128xf32, #tpu.memory_space<vmem>>, %arg10: memref<1xf32, #tpu.memory_space<vmem>>, %arg11: memref<512xf32, #tpu.memory_space<vmem>>, %arg12: memref<8192xf32, #tpu.memory_space<vmem>>, %arg13: memref<128xf32, #tpu.memory_space<vmem>>, %arg14: memref<8192xf32, #tpu.memory_space<vmem_shared>>, %arg15: memref<!tpu.dma_semaphore, #tpu.memory_space<semaphore_mem>>, %arg16: memref<!tpu.dma_semaphore, #tpu.memory_space<semaphore_mem>>) attributes {dimension_semantics = [#tpu.dimension_semantics<core_parallel>, #tpu.dimension_semantics<subcore_parallel>], iteration_bounds = array<i64: 2, 16>, scalar_prefetch = 0 : i64, scratch_operands = 10 : i64, tpu.core_type = #tpu.core_type<sc_vector_subcore>, window_params = [{transform_indices = #map}, {transform_indices = #map}, {transform_indices = #map}, {transform_indices = #map}, {transform_indices = #map}]} {
    %mul3A = arith.constant 2 : i32
    %mul3A_0 = arith.muli %arg1, %mul3A : i32
    %add3A = arith.addi %mul3A_0, %arg0 : i32
    tpu.enqueue_dma source(%arg4 : memref<128xf32, #tpu.memory_space<hbm>>) target(%arg9 : memref<128xf32, #tpu.memory_space<vmem>>) target_semaphore(%arg15 : memref<!tpu.dma_semaphore, #tpu.memory_space<semaphore_mem>>)
    %mul3A_1 = arith.constant 1024 : i32
    %mul3A_2 = arith.muli %add3A, %mul3A_1 : i32
    %dma_start3A = tpu.memref_slice %arg2[%mul3A_2] : memref<32768xi32, #tpu.memory_space<hbm>> -> memref<1024xi32, #tpu.memory_space<hbm>>
    %dma_start3A_3 = tpu.memref_slice %arg2[%mul3A_2] : memref<32768xi32, #tpu.memory_space<hbm>> -> memref<1024xi32, #tpu.memory_space<hbm>>
    tpu.enqueue_dma source(%dma_start3A_3 : memref<1024xi32, #tpu.memory_space<hbm>>) target(%arg7 : memref<1024xi32, #tpu.memory_space<vmem>>) target_semaphore(%arg16 : memref<!tpu.dma_semaphore, #tpu.memory_space<semaphore_mem>>)
    tpu.enqueue_dma source(%arg5 : memref<1xf32, #tpu.memory_space<hbm>>) target(%arg10 : memref<1xf32, #tpu.memory_space<vmem>>) target_semaphore(%arg16 : memref<!tpu.dma_semaphore, #tpu.memory_space<semaphore_mem>>)
    %eq3A = arith.constant 15 : i32
    %eq3A_4 = arith.cmpi eq, %arg1, %eq3A : i32
    %convert_element_type3A = arith.extui %eq3A_4 : i1 to i32
    %cond3A = arith.constant 0 : i32
    %cond3A_5 = arith.cmpi ne, %convert_element_type3A, %cond3A : i32
    scf.if %cond3A_5 {
      %mul3A_33 = arith.constant 64 : i32
      %mul3A_34 = arith.muli %arg1, %mul3A_33 : i32
      %mul3A_35 = arith.constant 16 : i32
      %mul3A_36 = arith.muli %mul3A_34, %mul3A_35 : i32
      %dma_start3A_37 = arith.constant 0 : i32
      %dma_start3A_38 = tpu.memref_slice %arg8[%dma_start3A_37] : memref<1024xf32, #tpu.memory_space<vmem>> -> memref<640xf32, #tpu.memory_space<vmem>>
      %dma_start3A_39 = tpu.memref_slice %arg3[%mul3A_36] : memref<16000xf32, #tpu.memory_space<hbm>> -> memref<640xf32, #tpu.memory_space<hbm>>
      %dma_start3A_40 = arith.constant 0 : i32
      %dma_start3A_41 = tpu.memref_slice %arg8[%dma_start3A_40] : memref<1024xf32, #tpu.memory_space<vmem>> -> memref<640xf32, #tpu.memory_space<vmem>>
      %dma_start3A_42 = tpu.memref_slice %arg3[%mul3A_36] : memref<16000xf32, #tpu.memory_space<hbm>> -> memref<640xf32, #tpu.memory_space<hbm>>
      tpu.enqueue_dma source(%dma_start3A_42 : memref<640xf32, #tpu.memory_space<hbm>>) target(%dma_start3A_41 : memref<640xf32, #tpu.memory_space<vmem>>) target_semaphore(%arg15 : memref<!tpu.dma_semaphore, #tpu.memory_space<semaphore_mem>>)
      %dma_wait3A_43 = arith.constant 0 : i32
      %dma_wait3A_44 = tpu.memref_slice %arg8[%dma_wait3A_43] : memref<1024xf32, #tpu.memory_space<vmem>> -> memref<640xf32, #tpu.memory_space<vmem>>
      %dma_wait3A_45 = tpu.memref_slice %arg3[%mul3A_36] : memref<16000xf32, #tpu.memory_space<hbm>> -> memref<640xf32, #tpu.memory_space<hbm>>
      %dma_wait3A_46 = arith.constant 0 : i32
      %dma_wait3A_47 = tpu.memref_slice %arg8[%dma_wait3A_46] : memref<1024xf32, #tpu.memory_space<vmem>> -> memref<640xf32, #tpu.memory_space<vmem>>
      %dma_wait3A_48 = tpu.memref_slice %arg3[%mul3A_36] : memref<16000xf32, #tpu.memory_space<hbm>> -> memref<640xf32, #tpu.memory_space<hbm>>
      tpu.wait_dma2 semaphore(%arg15 : memref<!tpu.dma_semaphore, #tpu.memory_space<semaphore_mem>>) src(%dma_wait3A_48 : memref<640xf32, #tpu.memory_space<hbm>>) dst(%dma_wait3A_47 : memref<640xf32, #tpu.memory_space<vmem>>)
    } else {
    }
    %ne3A = arith.constant 15 : i32
    %ne3A_6 = arith.cmpi ne, %arg1, %ne3A : i32
    %convert_element_type3A_7 = arith.extui %ne3A_6 : i1 to i32
    %cond3A_8 = arith.constant 0 : i32
    %cond3A_9 = arith.cmpi ne, %convert_element_type3A_7, %cond3A_8 : i32
    scf.if %cond3A_9 {
      %mul3A_33 = arith.constant 64 : i32
      %mul3A_34 = arith.muli %arg1, %mul3A_33 : i32
      %mul3A_35 = arith.constant 16 : i32
      %mul3A_36 = arith.muli %mul3A_34, %mul3A_35 : i32
      %dma_start3A_37 = tpu.memref_slice %arg3[%mul3A_36] : memref<16000xf32, #tpu.memory_space<hbm>> -> memref<1024xf32, #tpu.memory_space<hbm>>
      %dma_start3A_38 = tpu.memref_slice %arg3[%mul3A_36] : memref<16000xf32, #tpu.memory_space<hbm>> -> memref<1024xf32, #tpu.memory_space<hbm>>
      tpu.enqueue_dma source(%dma_start3A_38 : memref<1024xf32, #tpu.memory_space<hbm>>) target(%arg8 : memref<1024xf32, #tpu.memory_space<vmem>>) target_semaphore(%arg15 : memref<!tpu.dma_semaphore, #tpu.memory_space<semaphore_mem>>)
      %dma_wait3A_39 = tpu.memref_slice %arg3[%mul3A_36] : memref<16000xf32, #tpu.memory_space<hbm>> -> memref<1024xf32, #tpu.memory_space<hbm>>
      %dma_wait3A_40 = tpu.memref_slice %arg3[%mul3A_36] : memref<16000xf32, #tpu.memory_space<hbm>> -> memref<1024xf32, #tpu.memory_space<hbm>>
      tpu.wait_dma2 semaphore(%arg15 : memref<!tpu.dma_semaphore, #tpu.memory_space<semaphore_mem>>) src(%dma_wait3A_40 : memref<1024xf32, #tpu.memory_space<hbm>>) dst(%arg8 : memref<1024xf32, #tpu.memory_space<vmem>>)
    } else {
    }
    tpu.wait_dma2 semaphore(%arg15 : memref<!tpu.dma_semaphore, #tpu.memory_space<semaphore_mem>>) src(%arg4 : memref<128xf32, #tpu.memory_space<hbm>>) dst(%arg9 : memref<128xf32, #tpu.memory_space<vmem>>)
    %iota3A = tpu.iota {dimensions = array<i32: 0>} : vector<16xi32>
    %mul3A_10 = arith.constant 8 : i32
    %mul3A_11 = vector.broadcast %mul3A_10 : i32 to vector<16xi32>
    %mul3A_12 = arith.muli %iota3A, %mul3A_11 : vector<16xi32>
    %mul3A_13 = arith.constant 16 : i32
    %mul3A_14 = vector.broadcast %mul3A_13 : i32 to vector<16xi32>
    %mul3A_15 = arith.muli %iota3A, %mul3A_14 : vector<16xi32>
    %broadcast_in_dim3A = arith.constant 0.000000e+00 : f32
    %broadcast_in_dim3A_16 = vector.broadcast %broadcast_in_dim3A : f32 to vector<16xf32>
    %scan3A = arith.constant 0 : i32
    %scan3A_17 = arith.constant 0 : i32
    %scan3A_18 = arith.constant 4 : i32
    %scan3A_19 = arith.addi %scan3A_17, %scan3A_18 : i32
    %scan3A_20 = arith.constant 1 : i32
    scf.for %scan3A_33 = %scan3A_17 to %scan3A_19 step %scan3A_20  : i32 {
      %get3A = arith.constant 0 : index
      %get3A_34 = tpu.vector_load %arg9[%get3A] {strides = array<i32>} : memref<128xf32, #tpu.memory_space<vmem>>, vector<16xf32>,
      %get3A_35 = arith.constant 16 : index
      %get3A_36 = tpu.vector_load %arg9[%get3A_35] {strides = array<i32>} : memref<128xf32, #tpu.memory_space<vmem>>, vector<16xf32>,
      %get3A_37 = arith.constant 32 : index
      %get3A_38 = tpu.vector_load %arg9[%get3A_37] {strides = array<i32>} : memref<128xf32, #tpu.memory_space<vmem>>, vector<16xf32>,
      %get3A_39 = arith.constant 48 : index
      %get3A_40 = tpu.vector_load %arg9[%get3A_39] {strides = array<i32>} : memref<128xf32, #tpu.memory_space<vmem>>, vector<16xf32>,
      %get3A_41 = arith.constant 64 : index
      %get3A_42 = tpu.vector_load %arg9[%get3A_41] {strides = array<i32>} : memref<128xf32, #tpu.memory_space<vmem>>, vector<16xf32>,
      %get3A_43 = arith.constant 80 : index
      %get3A_44 = tpu.vector_load %arg9[%get3A_43] {strides = array<i32>} : memref<128xf32, #tpu.memory_space<vmem>>, vector<16xf32>,
      %get3A_45 = arith.constant 96 : index
      %get3A_46 = tpu.vector_load %arg9[%get3A_45] {strides = array<i32>} : memref<128xf32, #tpu.memory_space<vmem>>, vector<16xf32>,
      %get3A_47 = arith.constant 112 : index
      %get3A_48 = tpu.vector_load %arg9[%get3A_47] {strides = array<i32>} : memref<128xf32, #tpu.memory_space<vmem>>, vector<16xf32>,
      %mul3A_49 = arith.constant 256 : i32
      %mul3A_50 = arith.muli %scan3A_33, %mul3A_49 : i32
      %add3A_51 = arith.constant 0 : i32
      %add3A_52 = arith.addi %mul3A_50, %add3A_51 : i32
      %add3A_53 = vector.broadcast %add3A_52 : i32 to vector<16xi32>
      %add3A_54 = arith.addi %mul3A_15, %add3A_53 : vector<16xi32>
      %gather3A = tpu.vector_load_idx %arg8[%add3A_54] : memref<1024xf32, #tpu.memory_space<vmem>>[vector<16xi32>], vector<16xf32>,
      %slice3A = vector.extract_strided_slice %get3A_34 {offsets = [0], sizes = [1], strides = [1]} : vector<16xf32> to vector<1xf32>
      %squeeze3A = vector.extract %slice3A[0] : f32 from vector<1xf32>
      %mul3A_55 = vector.broadcast %squeeze3A : f32 to vector<16xf32>
      %mul3A_56 = arith.mulf %gather3A, %mul3A_55 : vector<16xf32>
      %add3A_57 = arith.addf %broadcast_in_dim3A_16, %mul3A_56 : vector<16xf32>
      %slice3A_58 = vector.extract_strided_slice %get3A_36 {offsets = [0], sizes = [1], strides = [1]} : vector<16xf32> to vector<1xf32>
      %squeeze3A_59 = vector.extract %slice3A_58[0] : f32 from vector<1xf32>
      %mul3A_60 = vector.broadcast %squeeze3A_59 : f32 to vector<16xf32>
      %mul3A_61 = arith.mulf %gather3A, %mul3A_60 : vector<16xf32>
      %add3A_62 = arith.addf %broadcast_in_dim3A_16, %mul3A_61 : vector<16xf32>
      %slice3A_63 = vector.extract_strided_slice %get3A_38 {offsets = [0], sizes = [1], strides = [1]} : vector<16xf32> to vector<1xf32>
      %squeeze3A_64 = vector.extract %slice3A_63[0] : f32 from vector<1xf32>
      %mul3A_65 = vector.broadcast %squeeze3A_64 : f32 to vector<16xf32>
      %mul3A_66 = arith.mulf %gather3A, %mul3A_65 : vector<16xf32>
      %add3A_67 = arith.addf %broadcast_in_dim3A_16, %mul3A_66 : vector<16xf32>
      %slice3A_68 = vector.extract_strided_slice %get3A_40 {offsets = [0], sizes = [1], strides = [1]} : vector<16xf32> to vector<1xf32>
      %squeeze3A_69 = vector.extract %slice3A_68[0] : f32 from vector<1xf32>
      %mul3A_70 = vector.broadcast %squeeze3A_69 : f32 to vector<16xf32>
      %mul3A_71 = arith.mulf %gather3A, %mul3A_70 : vector<16xf32>
      %add3A_72 = arith.addf %broadcast_in_dim3A_16, %mul3A_71 : vector<16xf32>
      %slice3A_73 = vector.extract_strided_slice %get3A_42 {offsets = [0], sizes = [1], strides = [1]} : vector<16xf32> to vector<1xf32>
      %squeeze3A_74 = vector.extract %slice3A_73[0] : f32 from vector<1xf32>
      %mul3A_75 = vector.broadcast %squeeze3A_74 : f32 to vector<16xf32>
      %mul3A_76 = arith.mulf %gather3A, %mul3A_75 : vector<16xf32>
      %add3A_77 = arith.addf %broadcast_in_dim3A_16, %mul3A_76 : vector<16xf32>
      %slice3A_78 = vector.extract_strided_slice %get3A_44 {offsets = [0], sizes = [1], strides = [1]} : vector<16xf32> to vector<1xf32>
      %squeeze3A_79 = vector.extract %slice3A_78[0] : f32 from vector<1xf32>
      %mul3A_80 = vector.broadcast %squeeze3A_79 : f32 to vector<16xf32>
      %mul3A_81 = arith.mulf %gather3A, %mul3A_80 : vector<16xf32>
      %add3A_82 = arith.addf %broadcast_in_dim3A_16, %mul3A_81 : vector<16xf32>
      %slice3A_83 = vector.extract_strided_slice %get3A_46 {offsets = [0], sizes = [1], strides = [1]} : vector<16xf32> to vector<1xf32>
      %squeeze3A_84 = vector.extract %slice3A_83[0] : f32 from vector<1xf32>
      %mul3A_85 = vector.broadcast %squeeze3A_84 : f32 to vector<16xf32>
      %mul3A_86 = arith.mulf %gather3A, %mul3A_85 : vector<16xf32>
      %add3A_87 = arith.addf %broadcast_in_dim3A_16, %mul3A_86 : vector<16xf32>
      %slice3A_88 = vector.extract_strided_slice %get3A_48 {offsets = [0], sizes = [1], strides = [1]} : vector<16xf32> to vector<1xf32>
      %squeeze3A_89 = vector.extract %slice3A_88[0] : f32 from vector<1xf32>
      %mul3A_90 = vector.broadcast %squeeze3A_89 : f32 to vector<16xf32>
      %mul3A_91 = arith.mulf %gather3A, %mul3A_90 : vector<16xf32>
      %add3A_92 = arith.addf %broadcast_in_dim3A_16, %mul3A_91 : vector<16xf32>
      %mul3A_93 = arith.constant 256 : i32
      %mul3A_94 = arith.muli %scan3A_33, %mul3A_93 : i32
      %add3A_95 = arith.constant 1 : i32
      %add3A_96 = arith.addi %mul3A_94, %add3A_95 : i32
      %add3A_97 = vector.broadcast %add3A_96 : i32 to vector<16xi32>
      %add3A_98 = arith.addi %mul3A_15, %add3A_97 : vector<16xi32>
      %gather3A_99 = tpu.vector_load_idx %arg8[%add3A_98] : memref<1024xf32, #tpu.memory_space<vmem>>[vector<16xi32>], vector<16xf32>,
      %slice3A_100 = vector.extract_strided_slice %get3A_34 {offsets = [1], sizes = [1], strides = [1]} : vector<16xf32> to vector<1xf32>
      %squeeze3A_101 = vector.extract %slice3A_100[0] : f32 from vector<1xf32>
      %mul3A_102 = vector.broadcast %squeeze3A_101 : f32 to vector<16xf32>
      %mul3A_103 = arith.mulf %gather3A_99, %mul3A_102 : vector<16xf32>
      %add3A_104 = arith.addf %add3A_57, %mul3A_103 : vector<16xf32>
      %slice3A_105 = vector.extract_strided_slice %get3A_36 {offsets = [1], sizes = [1], strides = [1]} : vector<16xf32> to vector<1xf32>
      %squeeze3A_106 = vector.extract %slice3A_105[0] : f32 from vector<1xf32>
      %mul3A_107 = vector.broadcast %squeeze3A_106 : f32 to vector<16xf32>
      %mul3A_108 = arith.mulf %gather3A_99, %mul3A_107 : vector<16xf32>
      %add3A_109 = arith.addf %add3A_62, %mul3A_108 : vector<16xf32>
      %slice3A_110 = vector.extract_strided_slice %get3A_38 {offsets = [1], sizes = [1], strides = [1]} : vector<16xf32> to vector<1xf32>
      %squeeze3A_111 = vector.extract %slice3A_110[0] : f32 from vector<1xf32>
      %mul3A_112 = vector.broadcast %squeeze3A_111 : f32 to vector<16xf32>
      %mul3A_113 = arith.mulf %gather3A_99, %mul3A_112 : vector<16xf32>
      %add3A_114 = arith.addf %add3A_67, %mul3A_113 : vector<16xf32>
      %slice3A_115 = vector.extract_strided_slice %get3A_40 {offsets = [1], sizes = [1], strides = [1]} : vector<16xf32> to vector<1xf32>
      %squeeze3A_116 = vector.extract %slice3A_115[0] : f32 from vector<1xf32>
      %mul3A_117 = vector.broadcast %squeeze3A_116 : f32 to vector<16xf32>
      %mul3A_118 = arith.mulf %gather3A_99, %mul3A_117 : vector<16xf32>
      %add3A_119 = arith.addf %add3A_72, %mul3A_118 : vector<16xf32>
      %slice3A_120 = vector.extract_strided_slice %get3A_42 {offsets = [1], sizes = [1], strides = [1]} : vector<16xf32> to vector<1xf32>
      %squeeze3A_121 = vector.extract %slice3A_120[0] : f32 from vector<1xf32>
      %mul3A_122 = vector.broadcast %squeeze3A_121 : f32 to vector<16xf32>
      %mul3A_123 = arith.mulf %gather3A_99, %mul3A_122 : vector<16xf32>
      %add3A_124 = arith.addf %add3A_77, %mul3A_123 : vector<16xf32>
      %slice3A_125 = vector.extract_strided_slice %get3A_44 {offsets = [1], sizes = [1], strides = [1]} : vector<16xf32> to vector<1xf32>
      %squeeze3A_126 = vector.extract %slice3A_125[0] : f32 from vector<1xf32>
      %mul3A_127 = vector.broadcast %squeeze3A_126 : f32 to vector<16xf32>
      %mul3A_128 = arith.mulf %gather3A_99, %mul3A_127 : vector<16xf32>
      %add3A_129 = arith.addf %add3A_82, %mul3A_128 : vector<16xf32>
      %slice3A_130 = vector.extract_strided_slice %get3A_46 {offsets = [1], sizes = [1], strides = [1]} : vector<16xf32> to vector<1xf32>
      %squeeze3A_131 = vector.extract %slice3A_130[0] : f32 from vector<1xf32>
      %mul3A_132 = vector.broadcast %squeeze3A_131 : f32 to vector<16xf32>
      %mul3A_133 = arith.mulf %gather3A_99, %mul3A_132 : vector<16xf32>
      %add3A_134 = arith.addf %add3A_87, %mul3A_133 : vector<16xf32>
      %slice3A_135 = vector.extract_strided_slice %get3A_48 {offsets = [1], sizes = [1], strides = [1]} : vector<16xf32> to vector<1xf32>
      %squeeze3A_136 = vector.extract %slice3A_135[0] : f32 from vector<1xf32>
      %mul3A_137 = vector.broadcast %squeeze3A_136 : f32 to vector<16xf32>
      %mul3A_138 = arith.mulf %gather3A_99, %mul3A_137 : vector<16xf32>
      %add3A_139 = arith.addf %add3A_92, %mul3A_138 : vector<16xf32>
      %mul3A_140 = arith.constant 256 : i32
      %mul3A_141 = arith.muli %scan3A_33, %mul3A_140 : i32
      %add3A_142 = arith.constant 2 : i32
      %add3A_143 = arith.addi %mul3A_141, %add3A_142 : i32
      %add3A_144 = vector.broadcast %add3A_143 : i32 to vector<16xi32>
      %add3A_145 = arith.addi %mul3A_15, %add3A_144 : vector<16xi32>
      %gather3A_146 = tpu.vector_load_idx %arg8[%add3A_145] : memref<1024xf32, #tpu.memory_space<vmem>>[vector<16xi32>], vector<16xf32>,
      %slice3A_147 = vector.extract_strided_slice %get3A_34 {offsets = [2], sizes = [1], strides = [1]} : vector<16xf32> to vector<1xf32>
      %squeeze3A_148 = vector.extract %slice3A_147[0] : f32 from vector<1xf32>
      %mul3A_149 = vector.broadcast %squeeze3A_148 : f32 to vector<16xf32>
      %mul3A_150 = arith.mulf %gather3A_146, %mul3A_149 : vector<16xf32>
      %add3A_151 = arith.addf %add3A_104, %mul3A_150 : vector<16xf32>
      %slice3A_152 = vector.extract_strided_slice %get3A_36 {offsets = [2], sizes = [1], strides = [1]} : vector<16xf32> to vector<1xf32>
      %squeeze3A_153 = vector.extract %slice3A_152[0] : f32 from vector<1xf32>
      %mul3A_154 = vector.broadcast %squeeze3A_153 : f32 to vector<16xf32>
      %mul3A_155 = arith.mulf %gather3A_146, %mul3A_154 : vector<16xf32>
      %add3A_156 = arith.addf %add3A_109, %mul3A_155 : vector<16xf32>
      %slice3A_157 = vector.extract_strided_slice %get3A_38 {offsets = [2], sizes = [1], strides = [1]} : vector<16xf32> to vector<1xf32>
      %squeeze3A_158 = vector.extract %slice3A_157[0] : f32 from vector<1xf32>
      %mul3A_159 = vector.broadcast %squeeze3A_158 : f32 to vector<16xf32>
      %mul3A_160 = arith.mulf %gather3A_146, %mul3A_159 : vector<16xf32>
      %add3A_161 = arith.addf %add3A_114, %mul3A_160 : vector<16xf32>
      %slice3A_162 = vector.extract_strided_slice %get3A_40 {offsets = [2], sizes = [1], strides = [1]} : vector<16xf32> to vector<1xf32>
      %squeeze3A_163 = vector.extract %slice3A_162[0] : f32 from vector<1xf32>
      %mul3A_164 = vector.broadcast %squeeze3A_163 : f32 to vector<16xf32>
      %mul3A_165 = arith.mulf %gather3A_146, %mul3A_164 : vector<16xf32>
      %add3A_166 = arith.addf %add3A_119, %mul3A_165 : vector<16xf32>
      %slice3A_167 = vector.extract_strided_slice %get3A_42 {offsets = [2], sizes = [1], strides = [1]} : vector<16xf32> to vector<1xf32>
      %squeeze3A_168 = vector.extract %slice3A_167[0] : f32 from vector<1xf32>
      %mul3A_169 = vector.broadcast %squeeze3A_168 : f32 to vector<16xf32>
      %mul3A_170 = arith.mulf %gather3A_146, %mul3A_169 : vector<16xf32>
      %add3A_171 = arith.addf %add3A_124, %mul3A_170 : vector<16xf32>
      %slice3A_172 = vector.extract_strided_slice %get3A_44 {offsets = [2], sizes = [1], strides = [1]} : vector<16xf32> to vector<1xf32>
      %squeeze3A_173 = vector.extract %slice3A_172[0] : f32 from vector<1xf32>
      %mul3A_174 = vector.broadcast %squeeze3A_173 : f32 to vector<16xf32>
      %mul3A_175 = arith.mulf %gather3A_146, %mul3A_174 : vector<16xf32>
      %add3A_176 = arith.addf %add3A_129, %mul3A_175 : vector<16xf32>
      %slice3A_177 = vector.extract_strided_slice %get3A_46 {offsets = [2], sizes = [1], strides = [1]} : vector<16xf32> to vector<1xf32>
      %squeeze3A_178 = vector.extract %slice3A_177[0] : f32 from vector<1xf32>
      %mul3A_179 = vector.broadcast %squeeze3A_178 : f32 to vector<16xf32>
      %mul3A_180 = arith.mulf %gather3A_146, %mul3A_179 : vector<16xf32>
      %add3A_181 = arith.addf %add3A_134, %mul3A_180 : vector<16xf32>
      %slice3A_182 = vector.extract_strided_slice %get3A_48 {offsets = [2], sizes = [1], strides = [1]} : vector<16xf32> to vector<1xf32>
      %squeeze3A_183 = vector.extract %slice3A_182[0] : f32 from vector<1xf32>
      %mul3A_184 = vector.broadcast %squeeze3A_183 : f32 to vector<16xf32>
      %mul3A_185 = arith.mulf %gather3A_146, %mul3A_184 : vector<16xf32>
      %add3A_186 = arith.addf %add3A_139, %mul3A_185 : vector<16xf32>
      %mul3A_187 = arith.constant 256 : i32
      %mul3A_188 = arith.muli %scan3A_33, %mul3A_187 : i32
      %add3A_189 = arith.constant 3 : i32
      %add3A_190 = arith.addi %mul3A_188, %add3A_189 : i32
      %add3A_191 = vector.broadcast %add3A_190 : i32 to vector<16xi32>
      %add3A_192 = arith.addi %mul3A_15, %add3A_191 : vector<16xi32>
      %gather3A_193 = tpu.vector_load_idx %arg8[%add3A_192] : memref<1024xf32, #tpu.memory_space<vmem>>[vector<16xi32>], vector<16xf32>,
      %slice3A_194 = vector.extract_strided_slice %get3A_34 {offsets = [3], sizes = [1], strides = [1]} : vector<16xf32> to vector<1xf32>
      %squeeze3A_195 = vector.extract %slice3A_194[0] : f32 from vector<1xf32>
      %mul3A_196 = vector.broadcast %squeeze3A_195 : f32 to vector<16xf32>
      %mul3A_197 = arith.mulf %gather3A_193, %mul3A_196 : vector<16xf32>
      %add3A_198 = arith.addf %add3A_151, %mul3A_197 : vector<16xf32>
      %slice3A_199 = vector.extract_strided_slice %get3A_36 {offsets = [3], sizes = [1], strides = [1]} : vector<16xf32> to vector<1xf32>
      %squeeze3A_200 = vector.extract %slice3A_199[0] : f32 from vector<1xf32>
      %mul3A_201 = vector.broadcast %squeeze3A_200 : f32 to vector<16xf32>
      %mul3A_202 = arith.mulf %gather3A_193, %mul3A_201 : vector<16xf32>
      %add3A_203 = arith.addf %add3A_156, %mul3A_202 : vector<16xf32>
      %slice3A_204 = vector.extract_strided_slice %get3A_38 {offsets = [3], sizes = [1], strides = [1]} : vector<16xf32> to vector<1xf32>
      %squeeze3A_205 = vector.extract %slice3A_204[0] : f32 from vector<1xf32>
      %mul3A_206 = vector.broadcast %squeeze3A_205 : f32 to vector<16xf32>
      %mul3A_207 = arith.mulf %gather3A_193, %mul3A_206 : vector<16xf32>
      %add3A_208 = arith.addf %add3A_161, %mul3A_207 : vector<16xf32>
      %slice3A_209 = vector.extract_strided_slice %get3A_40 {offsets = [3], sizes = [1], strides = [1]} : vector<16xf32> to vector<1xf32>
      %squeeze3A_210 = vector.extract %slice3A_209[0] : f32 from vector<1xf32>
      %mul3A_211 = vector.broadcast %squeeze3A_210 : f32 to vector<16xf32>
      %mul3A_212 = arith.mulf %gather3A_193, %mul3A_211 : vector<16xf32>
      %add3A_213 = arith.addf %add3A_166, %mul3A_212 : vector<16xf32>
      %slice3A_214 = vector.extract_strided_slice %get3A_42 {offsets = [3], sizes = [1], strides = [1]} : vector<16xf32> to vector<1xf32>
      %squeeze3A_215 = vector.extract %slice3A_214[0] : f32 from vector<1xf32>
      %mul3A_216 = vector.broadcast %squeeze3A_215 : f32 to vector<16xf32>
      %mul3A_217 = arith.mulf %gather3A_193, %mul3A_216 : vector<16xf32>
      %add3A_218 = arith.addf %add3A_171, %mul3A_217 : vector<16xf32>
      %slice3A_219 = vector.extract_strided_slice %get3A_44 {offsets = [3], sizes = [1], strides = [1]} : vector<16xf32> to vector<1xf32>
      %squeeze3A_220 = vector.extract %slice3A_219[0] : f32 from vector<1xf32>
      %mul3A_221 = vector.broadcast %squeeze3A_220 : f32 to vector<16xf32>
      %mul3A_222 = arith.mulf %gather3A_193, %mul3A_221 : vector<16xf32>
      %add3A_223 = arith.addf %add3A_176, %mul3A_222 : vector<16xf32>
      %slice3A_224 = vector.extract_strided_slice %get3A_46 {offsets = [3], sizes = [1], strides = [1]} : vector<16xf32> to vector<1xf32>
      %squeeze3A_225 = vector.extract %slice3A_224[0] : f32 from vector<1xf32>
      %mul3A_226 = vector.broadcast %squeeze3A_225 : f32 to vector<16xf32>
      %mul3A_227 = arith.mulf %gather3A_193, %mul3A_226 : vector<16xf32>
      %add3A_228 = arith.addf %add3A_181, %mul3A_227 : vector<16xf32>
      %slice3A_229 = vector.extract_strided_slice %get3A_48 {offsets = [3], sizes = [1], strides = [1]} : vector<16xf32> to vector<1xf32>
      %squeeze3A_230 = vector.extract %slice3A_229[0] : f32 from vector<1xf32>
      %mul3A_231 = vector.broadcast %squeeze3A_230 : f32 to vector<16xf32>
      %mul3A_232 = arith.mulf %gather3A_193, %mul3A_231 : vector<16xf32>
      %add3A_233 = arith.addf %add3A_186, %mul3A_232 : vector<16xf32>
      %mul3A_234 = arith.constant 256 : i32
      %mul3A_235 = arith.muli %scan3A_33, %mul3A_234 : i32
      %add3A_236 = arith.constant 4 : i32
      %add3A_237 = arith.addi %mul3A_235, %add3A_236 : i32
      %add3A_238 = vector.broadcast %add3A_237 : i32 to vector<16xi32>
      %add3A_239 = arith.addi %mul3A_15, %add3A_238 : vector<16xi32>
      %gather3A_240 = tpu.vector_load_idx %arg8[%add3A_239] : memref<1024xf32, #tpu.memory_space<vmem>>[vector<16xi32>], vector<16xf32>,
      %slice3A_241 = vector.extract_strided_slice %get3A_34 {offsets = [4], sizes = [1], strides = [1]} : vector<16xf32> to vector<1xf32>
      %squeeze3A_242 = vector.extract %slice3A_241[0] : f32 from vector<1xf32>
      %mul3A_243 = vector.broadcast %squeeze3A_242 : f32 to vector<16xf32>
      %mul3A_244 = arith.mulf %gather3A_240, %mul3A_243 : vector<16xf32>
      %add3A_245 = arith.addf %add3A_198, %mul3A_244 : vector<16xf32>
      %slice3A_246 = vector.extract_strided_slice %get3A_36 {offsets = [4], sizes = [1], strides = [1]} : vector<16xf32> to vector<1xf32>
      %squeeze3A_247 = vector.extract %slice3A_246[0] : f32 from vector<1xf32>
      %mul3A_248 = vector.broadcast %squeeze3A_247 : f32 to vector<16xf32>
      %mul3A_249 = arith.mulf %gather3A_240, %mul3A_248 : vector<16xf32>
      %add3A_250 = arith.addf %add3A_203, %mul3A_249 : vector<16xf32>
      %slice3A_251 = vector.extract_strided_slice %get3A_38 {offsets = [4], sizes = [1], strides = [1]} : vector<16xf32> to vector<1xf32>
      %squeeze3A_252 = vector.extract %slice3A_251[0] : f32 from vector<1xf32>
      %mul3A_253 = vector.broadcast %squeeze3A_252 : f32 to vector<16xf32>
      %mul3A_254 = arith.mulf %gather3A_240, %mul3A_253 : vector<16xf32>
      %add3A_255 = arith.addf %add3A_208, %mul3A_254 : vector<16xf32>
      %slice3A_256 = vector.extract_strided_slice %get3A_40 {offsets = [4], sizes = [1], strides = [1]} : vector<16xf32> to vector<1xf32>
      %squeeze3A_257 = vector.extract %slice3A_256[0] : f32 from vector<1xf32>
      %mul3A_258 = vector.broadcast %squeeze3A_257 : f32 to vector<16xf32>
      %mul3A_259 = arith.mulf %gather3A_240, %mul3A_258 : vector<16xf32>
      %add3A_260 = arith.addf %add3A_213, %mul3A_259 : vector<16xf32>
      %slice3A_261 = vector.extract_strided_slice %get3A_42 {offsets = [4], sizes = [1], strides = [1]} : vector<16xf32> to vector<1xf32>
      %squeeze3A_262 = vector.extract %slice3A_261[0] : f32 from vector<1xf32>
      %mul3A_263 = vector.broadcast %squeeze3A_262 : f32 to vector<16xf32>
      %mul3A_264 = arith.mulf %gather3A_240, %mul3A_263 : vector<16xf32>
      %add3A_265 = arith.addf %add3A_218, %mul3A_264 : vector<16xf32>
      %slice3A_266 = vector.extract_strided_slice %get3A_44 {offsets = [4], sizes = [1], strides = [1]} : vector<16xf32> to vector<1xf32>
      %squeeze3A_267 = vector.extract %slice3A_266[0] : f32 from vector<1xf32>
      %mul3A_268 = vector.broadcast %squeeze3A_267 : f32 to vector<16xf32>
      %mul3A_269 = arith.mulf %gather3A_240, %mul3A_268 : vector<16xf32>
      %add3A_270 = arith.addf %add3A_223, %mul3A_269 : vector<16xf32>
      %slice3A_271 = vector.extract_strided_slice %get3A_46 {offsets = [4], sizes = [1], strides = [1]} : vector<16xf32> to vector<1xf32>
      %squeeze3A_272 = vector.extract %slice3A_271[0] : f32 from vector<1xf32>
      %mul3A_273 = vector.broadcast %squeeze3A_272 : f32 to vector<16xf32>
      %mul3A_274 = arith.mulf %gather3A_240, %mul3A_273 : vector<16xf32>
      %add3A_275 = arith.addf %add3A_228, %mul3A_274 : vector<16xf32>
      %slice3A_276 = vector.extract_strided_slice %get3A_48 {offsets = [4], sizes = [1], strides = [1]} : vector<16xf32> to vector<1xf32>
      %squeeze3A_277 = vector.extract %slice3A_276[0] : f32 from vector<1xf32>
      %mul3A_278 = vector.broadcast %squeeze3A_277 : f32 to vector<16xf32>
      %mul3A_279 = arith.mulf %gather3A_240, %mul3A_278 : vector<16xf32>
      %add3A_280 = arith.addf %add3A_233, %mul3A_279 : vector<16xf32>
      %mul3A_281 = arith.constant 256 : i32
      %mul3A_282 = arith.muli %scan3A_33, %mul3A_281 : i32
      %add3A_283 = arith.constant 5 : i32
      %add3A_284 = arith.addi %mul3A_282, %add3A_283 : i32
      %add3A_285 = vector.broadcast %add3A_284 : i32 to vector<16xi32>
      %add3A_286 = arith.addi %mul3A_15, %add3A_285 : vector<16xi32>
      %gather3A_287 = tpu.vector_load_idx %arg8[%add3A_286] : memref<1024xf32, #tpu.memory_space<vmem>>[vector<16xi32>], vector<16xf32>,
      %slice3A_288 = vector.extract_strided_slice %get3A_34 {offsets = [5], sizes = [1], strides = [1]} : vector<16xf32> to vector<1xf32>
      %squeeze3A_289 = vector.extract %slice3A_288[0] : f32 from vector<1xf32>
      %mul3A_290 = vector.broadcast %squeeze3A_289 : f32 to vector<16xf32>
      %mul3A_291 = arith.mulf %gather3A_287, %mul3A_290 : vector<16xf32>
      %add3A_292 = arith.addf %add3A_245, %mul3A_291 : vector<16xf32>
      %slice3A_293 = vector.extract_strided_slice %get3A_36 {offsets = [5], sizes = [1], strides = [1]} : vector<16xf32> to vector<1xf32>
      %squeeze3A_294 = vector.extract %slice3A_293[0] : f32 from vector<1xf32>
      %mul3A_295 = vector.broadcast %squeeze3A_294 : f32 to vector<16xf32>
      %mul3A_296 = arith.mulf %gather3A_287, %mul3A_295 : vector<16xf32>
      %add3A_297 = arith.addf %add3A_250, %mul3A_296 : vector<16xf32>
      %slice3A_298 = vector.extract_strided_slice %get3A_38 {offsets = [5], sizes = [1], strides = [1]} : vector<16xf32> to vector<1xf32>
      %squeeze3A_299 = vector.extract %slice3A_298[0] : f32 from vector<1xf32>
      %mul3A_300 = vector.broadcast %squeeze3A_299 : f32 to vector<16xf32>
      %mul3A_301 = arith.mulf %gather3A_287, %mul3A_300 : vector<16xf32>
      %add3A_302 = arith.addf %add3A_255, %mul3A_301 : vector<16xf32>
      %slice3A_303 = vector.extract_strided_slice %get3A_40 {offsets = [5], sizes = [1], strides = [1]} : vector<16xf32> to vector<1xf32>
      %squeeze3A_304 = vector.extract %slice3A_303[0] : f32 from vector<1xf32>
      %mul3A_305 = vector.broadcast %squeeze3A_304 : f32 to vector<16xf32>
      %mul3A_306 = arith.mulf %gather3A_287, %mul3A_305 : vector<16xf32>
      %add3A_307 = arith.addf %add3A_260, %mul3A_306 : vector<16xf32>
      %slice3A_308 = vector.extract_strided_slice %get3A_42 {offsets = [5], sizes = [1], strides = [1]} : vector<16xf32> to vector<1xf32>
      %squeeze3A_309 = vector.extract %slice3A_308[0] : f32 from vector<1xf32>
      %mul3A_310 = vector.broadcast %squeeze3A_309 : f32 to vector<16xf32>
      %mul3A_311 = arith.mulf %gather3A_287, %mul3A_310 : vector<16xf32>
      %add3A_312 = arith.addf %add3A_265, %mul3A_311 : vector<16xf32>
      %slice3A_313 = vector.extract_strided_slice %get3A_44 {offsets = [5], sizes = [1], strides = [1]} : vector<16xf32> to vector<1xf32>
      %squeeze3A_314 = vector.extract %slice3A_313[0] : f32 from vector<1xf32>
      %mul3A_315 = vector.broadcast %squeeze3A_314 : f32 to vector<16xf32>
      %mul3A_316 = arith.mulf %gather3A_287, %mul3A_315 : vector<16xf32>
      %add3A_317 = arith.addf %add3A_270, %mul3A_316 : vector<16xf32>
      %slice3A_318 = vector.extract_strided_slice %get3A_46 {offsets = [5], sizes = [1], strides = [1]} : vector<16xf32> to vector<1xf32>
      %squeeze3A_319 = vector.extract %slice3A_318[0] : f32 from vector<1xf32>
      %mul3A_320 = vector.broadcast %squeeze3A_319 : f32 to vector<16xf32>
      %mul3A_321 = arith.mulf %gather3A_287, %mul3A_320 : vector<16xf32>
      %add3A_322 = arith.addf %add3A_275, %mul3A_321 : vector<16xf32>
      %slice3A_323 = vector.extract_strided_slice %get3A_48 {offsets = [5], sizes = [1], strides = [1]} : vector<16xf32> to vector<1xf32>
      %squeeze3A_324 = vector.extract %slice3A_323[0] : f32 from vector<1xf32>
      %mul3A_325 = vector.broadcast %squeeze3A_324 : f32 to vector<16xf32>
      %mul3A_326 = arith.mulf %gather3A_287, %mul3A_325 : vector<16xf32>
      %add3A_327 = arith.addf %add3A_280, %mul3A_326 : vector<16xf32>
      %mul3A_328 = arith.constant 256 : i32
      %mul3A_329 = arith.muli %scan3A_33, %mul3A_328 : i32
      %add3A_330 = arith.constant 6 : i32
      %add3A_331 = arith.addi %mul3A_329, %add3A_330 : i32
      %add3A_332 = vector.broadcast %add3A_331 : i32 to vector<16xi32>
      %add3A_333 = arith.addi %mul3A_15, %add3A_332 : vector<16xi32>
      %gather3A_334 = tpu.vector_load_idx %arg8[%add3A_333] : memref<1024xf32, #tpu.memory_space<vmem>>[vector<16xi32>], vector<16xf32>,
      %slice3A_335 = vector.extract_strided_slice %get3A_34 {offsets = [6], sizes = [1], strides = [1]} : vector<16xf32> to vector<1xf32>
      %squeeze3A_336 = vector.extract %slice3A_335[0] : f32 from vector<1xf32>
      %mul3A_337 = vector.broadcast %squeeze3A_336 : f32 to vector<16xf32>
      %mul3A_338 = arith.mulf %gather3A_334, %mul3A_337 : vector<16xf32>
      %add3A_339 = arith.addf %add3A_292, %mul3A_338 : vector<16xf32>
      %slice3A_340 = vector.extract_strided_slice %get3A_36 {offsets = [6], sizes = [1], strides = [1]} : vector<16xf32> to vector<1xf32>
      %squeeze3A_341 = vector.extract %slice3A_340[0] : f32 from vector<1xf32>
      %mul3A_342 = vector.broadcast %squeeze3A_341 : f32 to vector<16xf32>
      %mul3A_343 = arith.mulf %gather3A_334, %mul3A_342 : vector<16xf32>
      %add3A_344 = arith.addf %add3A_297, %mul3A_343 : vector<16xf32>
      %slice3A_345 = vector.extract_strided_slice %get3A_38 {offsets = [6], sizes = [1], strides = [1]} : vector<16xf32> to vector<1xf32>
      %squeeze3A_346 = vector.extract %slice3A_345[0] : f32 from vector<1xf32>
      %mul3A_347 = vector.broadcast %squeeze3A_346 : f32 to vector<16xf32>
      %mul3A_348 = arith.mulf %gather3A_334, %mul3A_347 : vector<16xf32>
      %add3A_349 = arith.addf %add3A_302, %mul3A_348 : vector<16xf32>
      %slice3A_350 = vector.extract_strided_slice %get3A_40 {offsets = [6], sizes = [1], strides = [1]} : vector<16xf32> to vector<1xf32>
      %squeeze3A_351 = vector.extract %slice3A_350[0] : f32 from vector<1xf32>
      %mul3A_352 = vector.broadcast %squeeze3A_351 : f32 to vector<16xf32>
      %mul3A_353 = arith.mulf %gather3A_334, %mul3A_352 : vector<16xf32>
      %add3A_354 = arith.addf %add3A_307, %mul3A_353 : vector<16xf32>
      %slice3A_355 = vector.extract_strided_slice %get3A_42 {offsets = [6], sizes = [1], strides = [1]} : vector<16xf32> to vector<1xf32>
      %squeeze3A_356 = vector.extract %slice3A_355[0] : f32 from vector<1xf32>
      %mul3A_357 = vector.broadcast %squeeze3A_356 : f32 to vector<16xf32>
      %mul3A_358 = arith.mulf %gather3A_334, %mul3A_357 : vector<16xf32>
      %add3A_359 = arith.addf %add3A_312, %mul3A_358 : vector<16xf32>
      %slice3A_360 = vector.extract_strided_slice %get3A_44 {offsets = [6], sizes = [1], strides = [1]} : vector<16xf32> to vector<1xf32>
      %squeeze3A_361 = vector.extract %slice3A_360[0] : f32 from vector<1xf32>
      %mul3A_362 = vector.broadcast %squeeze3A_361 : f32 to vector<16xf32>
      %mul3A_363 = arith.mulf %gather3A_334, %mul3A_362 : vector<16xf32>
      %add3A_364 = arith.addf %add3A_317, %mul3A_363 : vector<16xf32>
      %slice3A_365 = vector.extract_strided_slice %get3A_46 {offsets = [6], sizes = [1], strides = [1]} : vector<16xf32> to vector<1xf32>
      %squeeze3A_366 = vector.extract %slice3A_365[0] : f32 from vector<1xf32>
      %mul3A_367 = vector.broadcast %squeeze3A_366 : f32 to vector<16xf32>
      %mul3A_368 = arith.mulf %gather3A_334, %mul3A_367 : vector<16xf32>
      %add3A_369 = arith.addf %add3A_322, %mul3A_368 : vector<16xf32>
      %slice3A_370 = vector.extract_strided_slice %get3A_48 {offsets = [6], sizes = [1], strides = [1]} : vector<16xf32> to vector<1xf32>
      %squeeze3A_371 = vector.extract %slice3A_370[0] : f32 from vector<1xf32>
      %mul3A_372 = vector.broadcast %squeeze3A_371 : f32 to vector<16xf32>
      %mul3A_373 = arith.mulf %gather3A_334, %mul3A_372 : vector<16xf32>
      %add3A_374 = arith.addf %add3A_327, %mul3A_373 : vector<16xf32>
      %mul3A_375 = arith.constant 256 : i32
      %mul3A_376 = arith.muli %scan3A_33, %mul3A_375 : i32
      %add3A_377 = arith.constant 7 : i32
      %add3A_378 = arith.addi %mul3A_376, %add3A_377 : i32
      %add3A_379 = vector.broadcast %add3A_378 : i32 to vector<16xi32>
      %add3A_380 = arith.addi %mul3A_15, %add3A_379 : vector<16xi32>
      %gather3A_381 = tpu.vector_load_idx %arg8[%add3A_380] : memref<1024xf32, #tpu.memory_space<vmem>>[vector<16xi32>], vector<16xf32>,
      %slice3A_382 = vector.extract_strided_slice %get3A_34 {offsets = [7], sizes = [1], strides = [1]} : vector<16xf32> to vector<1xf32>
      %squeeze3A_383 = vector.extract %slice3A_382[0] : f32 from vector<1xf32>
      %mul3A_384 = vector.broadcast %squeeze3A_383 : f32 to vector<16xf32>
      %mul3A_385 = arith.mulf %gather3A_381, %mul3A_384 : vector<16xf32>
      %add3A_386 = arith.addf %add3A_339, %mul3A_385 : vector<16xf32>
      %slice3A_387 = vector.extract_strided_slice %get3A_36 {offsets = [7], sizes = [1], strides = [1]} : vector<16xf32> to vector<1xf32>
      %squeeze3A_388 = vector.extract %slice3A_387[0] : f32 from vector<1xf32>
      %mul3A_389 = vector.broadcast %squeeze3A_388 : f32 to vector<16xf32>
      %mul3A_390 = arith.mulf %gather3A_381, %mul3A_389 : vector<16xf32>
      %add3A_391 = arith.addf %add3A_344, %mul3A_390 : vector<16xf32>
      %slice3A_392 = vector.extract_strided_slice %get3A_38 {offsets = [7], sizes = [1], strides = [1]} : vector<16xf32> to vector<1xf32>
      %squeeze3A_393 = vector.extract %slice3A_392[0] : f32 from vector<1xf32>
      %mul3A_394 = vector.broadcast %squeeze3A_393 : f32 to vector<16xf32>
      %mul3A_395 = arith.mulf %gather3A_381, %mul3A_394 : vector<16xf32>
      %add3A_396 = arith.addf %add3A_349, %mul3A_395 : vector<16xf32>
      %slice3A_397 = vector.extract_strided_slice %get3A_40 {offsets = [7], sizes = [1], strides = [1]} : vector<16xf32> to vector<1xf32>
      %squeeze3A_398 = vector.extract %slice3A_397[0] : f32 from vector<1xf32>
      %mul3A_399 = vector.broadcast %squeeze3A_398 : f32 to vector<16xf32>
      %mul3A_400 = arith.mulf %gather3A_381, %mul3A_399 : vector<16xf32>
      %add3A_401 = arith.addf %add3A_354, %mul3A_400 : vector<16xf32>
      %slice3A_402 = vector.extract_strided_slice %get3A_42 {offsets = [7], sizes = [1], strides = [1]} : vector<16xf32> to vector<1xf32>
      %squeeze3A_403 = vector.extract %slice3A_402[0] : f32 from vector<1xf32>
      %mul3A_404 = vector.broadcast %squeeze3A_403 : f32 to vector<16xf32>
      %mul3A_405 = arith.mulf %gather3A_381, %mul3A_404 : vector<16xf32>
      %add3A_406 = arith.addf %add3A_359, %mul3A_405 : vector<16xf32>
      %slice3A_407 = vector.extract_strided_slice %get3A_44 {offsets = [7], sizes = [1], strides = [1]} : vector<16xf32> to vector<1xf32>
      %squeeze3A_408 = vector.extract %slice3A_407[0] : f32 from vector<1xf32>
      %mul3A_409 = vector.broadcast %squeeze3A_408 : f32 to vector<16xf32>
      %mul3A_410 = arith.mulf %gather3A_381, %mul3A_409 : vector<16xf32>
      %add3A_411 = arith.addf %add3A_364, %mul3A_410 : vector<16xf32>
      %slice3A_412 = vector.extract_strided_slice %get3A_46 {offsets = [7], sizes = [1], strides = [1]} : vector<16xf32> to vector<1xf32>
      %squeeze3A_413 = vector.extract %slice3A_412[0] : f32 from vector<1xf32>
      %mul3A_414 = vector.broadcast %squeeze3A_413 : f32 to vector<16xf32>
      %mul3A_415 = arith.mulf %gather3A_381, %mul3A_414 : vector<16xf32>
      %add3A_416 = arith.addf %add3A_369, %mul3A_415 : vector<16xf32>
      %slice3A_417 = vector.extract_strided_slice %get3A_48 {offsets = [7], sizes = [1], strides = [1]} : vector<16xf32> to vector<1xf32>
      %squeeze3A_418 = vector.extract %slice3A_417[0] : f32 from vector<1xf32>
      %mul3A_419 = vector.broadcast %squeeze3A_418 : f32 to vector<16xf32>
      %mul3A_420 = arith.mulf %gather3A_381, %mul3A_419 : vector<16xf32>
      %add3A_421 = arith.addf %add3A_374, %mul3A_420 : vector<16xf32>
      %mul3A_422 = arith.constant 256 : i32
      %mul3A_423 = arith.muli %scan3A_33, %mul3A_422 : i32
      %add3A_424 = arith.constant 8 : i32
      %add3A_425 = arith.addi %mul3A_423, %add3A_424 : i32
      %add3A_426 = vector.broadcast %add3A_425 : i32 to vector<16xi32>
      %add3A_427 = arith.addi %mul3A_15, %add3A_426 : vector<16xi32>
      %gather3A_428 = tpu.vector_load_idx %arg8[%add3A_427] : memref<1024xf32, #tpu.memory_space<vmem>>[vector<16xi32>], vector<16xf32>,
      %slice3A_429 = vector.extract_strided_slice %get3A_34 {offsets = [8], sizes = [1], strides = [1]} : vector<16xf32> to vector<1xf32>
      %squeeze3A_430 = vector.extract %slice3A_429[0] : f32 from vector<1xf32>
      %mul3A_431 = vector.broadcast %squeeze3A_430 : f32 to vector<16xf32>
      %mul3A_432 = arith.mulf %gather3A_428, %mul3A_431 : vector<16xf32>
      %add3A_433 = arith.addf %add3A_386, %mul3A_432 : vector<16xf32>
      %slice3A_434 = vector.extract_strided_slice %get3A_36 {offsets = [8], sizes = [1], strides = [1]} : vector<16xf32> to vector<1xf32>
      %squeeze3A_435 = vector.extract %slice3A_434[0] : f32 from vector<1xf32>
      %mul3A_436 = vector.broadcast %squeeze3A_435 : f32 to vector<16xf32>
      %mul3A_437 = arith.mulf %gather3A_428, %mul3A_436 : vector<16xf32>
      %add3A_438 = arith.addf %add3A_391, %mul3A_437 : vector<16xf32>
      %slice3A_439 = vector.extract_strided_slice %get3A_38 {offsets = [8], sizes = [1], strides = [1]} : vector<16xf32> to vector<1xf32>
      %squeeze3A_440 = vector.extract %slice3A_439[0] : f32 from vector<1xf32>
      %mul3A_441 = vector.broadcast %squeeze3A_440 : f32 to vector<16xf32>
      %mul3A_442 = arith.mulf %gather3A_428, %mul3A_441 : vector<16xf32>
      %add3A_443 = arith.addf %add3A_396, %mul3A_442 : vector<16xf32>
      %slice3A_444 = vector.extract_strided_slice %get3A_40 {offsets = [8], sizes = [1], strides = [1]} : vector<16xf32> to vector<1xf32>
      %squeeze3A_445 = vector.extract %slice3A_444[0] : f32 from vector<1xf32>
      %mul3A_446 = vector.broadcast %squeeze3A_445 : f32 to vector<16xf32>
      %mul3A_447 = arith.mulf %gather3A_428, %mul3A_446 : vector<16xf32>
      %add3A_448 = arith.addf %add3A_401, %mul3A_447 : vector<16xf32>
      %slice3A_449 = vector.extract_strided_slice %get3A_42 {offsets = [8], sizes = [1], strides = [1]} : vector<16xf32> to vector<1xf32>
      %squeeze3A_450 = vector.extract %slice3A_449[0] : f32 from vector<1xf32>
      %mul3A_451 = vector.broadcast %squeeze3A_450 : f32 to vector<16xf32>
      %mul3A_452 = arith.mulf %gather3A_428, %mul3A_451 : vector<16xf32>
      %add3A_453 = arith.addf %add3A_406, %mul3A_452 : vector<16xf32>
      %slice3A_454 = vector.extract_strided_slice %get3A_44 {offsets = [8], sizes = [1], strides = [1]} : vector<16xf32> to vector<1xf32>
      %squeeze3A_455 = vector.extract %slice3A_454[0] : f32 from vector<1xf32>
      %mul3A_456 = vector.broadcast %squeeze3A_455 : f32 to vector<16xf32>
      %mul3A_457 = arith.mulf %gather3A_428, %mul3A_456 : vector<16xf32>
      %add3A_458 = arith.addf %add3A_411, %mul3A_457 : vector<16xf32>
      %slice3A_459 = vector.extract_strided_slice %get3A_46 {offsets = [8], sizes = [1], strides = [1]} : vector<16xf32> to vector<1xf32>
      %squeeze3A_460 = vector.extract %slice3A_459[0] : f32 from vector<1xf32>
      %mul3A_461 = vector.broadcast %squeeze3A_460 : f32 to vector<16xf32>
      %mul3A_462 = arith.mulf %gather3A_428, %mul3A_461 : vector<16xf32>
      %add3A_463 = arith.addf %add3A_416, %mul3A_462 : vector<16xf32>
      %slice3A_464 = vector.extract_strided_slice %get3A_48 {offsets = [8], sizes = [1], strides = [1]} : vector<16xf32> to vector<1xf32>
      %squeeze3A_465 = vector.extract %slice3A_464[0] : f32 from vector<1xf32>
      %mul3A_466 = vector.broadcast %squeeze3A_465 : f32 to vector<16xf32>
      %mul3A_467 = arith.mulf %gather3A_428, %mul3A_466 : vector<16xf32>
      %add3A_468 = arith.addf %add3A_421, %mul3A_467 : vector<16xf32>
      %mul3A_469 = arith.constant 256 : i32
      %mul3A_470 = arith.muli %scan3A_33, %mul3A_469 : i32
      %add3A_471 = arith.constant 9 : i32
      %add3A_472 = arith.addi %mul3A_470, %add3A_471 : i32
      %add3A_473 = vector.broadcast %add3A_472 : i32 to vector<16xi32>
      %add3A_474 = arith.addi %mul3A_15, %add3A_473 : vector<16xi32>
      %gather3A_475 = tpu.vector_load_idx %arg8[%add3A_474] : memref<1024xf32, #tpu.memory_space<vmem>>[vector<16xi32>], vector<16xf32>,
      %slice3A_476 = vector.extract_strided_slice %get3A_34 {offsets = [9], sizes = [1], strides = [1]} : vector<16xf32> to vector<1xf32>
      %squeeze3A_477 = vector.extract %slice3A_476[0] : f32 from vector<1xf32>
      %mul3A_478 = vector.broadcast %squeeze3A_477 : f32 to vector<16xf32>
      %mul3A_479 = arith.mulf %gather3A_475, %mul3A_478 : vector<16xf32>
      %add3A_480 = arith.addf %add3A_433, %mul3A_479 : vector<16xf32>
      %slice3A_481 = vector.extract_strided_slice %get3A_36 {offsets = [9], sizes = [1], strides = [1]} : vector<16xf32> to vector<1xf32>
      %squeeze3A_482 = vector.extract %slice3A_481[0] : f32 from vector<1xf32>
      %mul3A_483 = vector.broadcast %squeeze3A_482 : f32 to vector<16xf32>
      %mul3A_484 = arith.mulf %gather3A_475, %mul3A_483 : vector<16xf32>
      %add3A_485 = arith.addf %add3A_438, %mul3A_484 : vector<16xf32>
      %slice3A_486 = vector.extract_strided_slice %get3A_38 {offsets = [9], sizes = [1], strides = [1]} : vector<16xf32> to vector<1xf32>
      %squeeze3A_487 = vector.extract %slice3A_486[0] : f32 from vector<1xf32>
      %mul3A_488 = vector.broadcast %squeeze3A_487 : f32 to vector<16xf32>
      %mul3A_489 = arith.mulf %gather3A_475, %mul3A_488 : vector<16xf32>
      %add3A_490 = arith.addf %add3A_443, %mul3A_489 : vector<16xf32>
      %slice3A_491 = vector.extract_strided_slice %get3A_40 {offsets = [9], sizes = [1], strides = [1]} : vector<16xf32> to vector<1xf32>
      %squeeze3A_492 = vector.extract %slice3A_491[0] : f32 from vector<1xf32>
      %mul3A_493 = vector.broadcast %squeeze3A_492 : f32 to vector<16xf32>
      %mul3A_494 = arith.mulf %gather3A_475, %mul3A_493 : vector<16xf32>
      %add3A_495 = arith.addf %add3A_448, %mul3A_494 : vector<16xf32>
      %slice3A_496 = vector.extract_strided_slice %get3A_42 {offsets = [9], sizes = [1], strides = [1]} : vector<16xf32> to vector<1xf32>
      %squeeze3A_497 = vector.extract %slice3A_496[0] : f32 from vector<1xf32>
      %mul3A_498 = vector.broadcast %squeeze3A_497 : f32 to vector<16xf32>
      %mul3A_499 = arith.mulf %gather3A_475, %mul3A_498 : vector<16xf32>
      %add3A_500 = arith.addf %add3A_453, %mul3A_499 : vector<16xf32>
      %slice3A_501 = vector.extract_strided_slice %get3A_44 {offsets = [9], sizes = [1], strides = [1]} : vector<16xf32> to vector<1xf32>
      %squeeze3A_502 = vector.extract %slice3A_501[0] : f32 from vector<1xf32>
      %mul3A_503 = vector.broadcast %squeeze3A_502 : f32 to vector<16xf32>
      %mul3A_504 = arith.mulf %gather3A_475, %mul3A_503 : vector<16xf32>
      %add3A_505 = arith.addf %add3A_458, %mul3A_504 : vector<16xf32>
      %slice3A_506 = vector.extract_strided_slice %get3A_46 {offsets = [9], sizes = [1], strides = [1]} : vector<16xf32> to vector<1xf32>
      %squeeze3A_507 = vector.extract %slice3A_506[0] : f32 from vector<1xf32>
      %mul3A_508 = vector.broadcast %squeeze3A_507 : f32 to vector<16xf32>
      %mul3A_509 = arith.mulf %gather3A_475, %mul3A_508 : vector<16xf32>
      %add3A_510 = arith.addf %add3A_463, %mul3A_509 : vector<16xf32>
      %slice3A_511 = vector.extract_strided_slice %get3A_48 {offsets = [9], sizes = [1], strides = [1]} : vector<16xf32> to vector<1xf32>
      %squeeze3A_512 = vector.extract %slice3A_511[0] : f32 from vector<1xf32>
      %mul3A_513 = vector.broadcast %squeeze3A_512 : f32 to vector<16xf32>
      %mul3A_514 = arith.mulf %gather3A_475, %mul3A_513 : vector<16xf32>
      %add3A_515 = arith.addf %add3A_468, %mul3A_514 : vector<16xf32>
      %mul3A_516 = arith.constant 256 : i32
      %mul3A_517 = arith.muli %scan3A_33, %mul3A_516 : i32
      %add3A_518 = arith.constant 10 : i32
      %add3A_519 = arith.addi %mul3A_517, %add3A_518 : i32
      %add3A_520 = vector.broadcast %add3A_519 : i32 to vector<16xi32>
      %add3A_521 = arith.addi %mul3A_15, %add3A_520 : vector<16xi32>
      %gather3A_522 = tpu.vector_load_idx %arg8[%add3A_521] : memref<1024xf32, #tpu.memory_space<vmem>>[vector<16xi32>], vector<16xf32>,
      %slice3A_523 = vector.extract_strided_slice %get3A_34 {offsets = [10], sizes = [1], strides = [1]} : vector<16xf32> to vector<1xf32>
      %squeeze3A_524 = vector.extract %slice3A_523[0] : f32 from vector<1xf32>
      %mul3A_525 = vector.broadcast %squeeze3A_524 : f32 to vector<16xf32>
      %mul3A_526 = arith.mulf %gather3A_522, %mul3A_525 : vector<16xf32>
      %add3A_527 = arith.addf %add3A_480, %mul3A_526 : vector<16xf32>
      %slice3A_528 = vector.extract_strided_slice %get3A_36 {offsets = [10], sizes = [1], strides = [1]} : vector<16xf32> to vector<1xf32>
      %squeeze3A_529 = vector.extract %slice3A_528[0] : f32 from vector<1xf32>
      %mul3A_530 = vector.broadcast %squeeze3A_529 : f32 to vector<16xf32>
      %mul3A_531 = arith.mulf %gather3A_522, %mul3A_530 : vector<16xf32>
      %add3A_532 = arith.addf %add3A_485, %mul3A_531 : vector<16xf32>
      %slice3A_533 = vector.extract_strided_slice %get3A_38 {offsets = [10], sizes = [1], strides = [1]} : vector<16xf32> to vector<1xf32>
      %squeeze3A_534 = vector.extract %slice3A_533[0] : f32 from vector<1xf32>
      %mul3A_535 = vector.broadcast %squeeze3A_534 : f32 to vector<16xf32>
      %mul3A_536 = arith.mulf %gather3A_522, %mul3A_535 : vector<16xf32>
      %add3A_537 = arith.addf %add3A_490, %mul3A_536 : vector<16xf32>
      %slice3A_538 = vector.extract_strided_slice %get3A_40 {offsets = [10], sizes = [1], strides = [1]} : vector<16xf32> to vector<1xf32>
      %squeeze3A_539 = vector.extract %slice3A_538[0] : f32 from vector<1xf32>
      %mul3A_540 = vector.broadcast %squeeze3A_539 : f32 to vector<16xf32>
      %mul3A_541 = arith.mulf %gather3A_522, %mul3A_540 : vector<16xf32>
      %add3A_542 = arith.addf %add3A_495, %mul3A_541 : vector<16xf32>
      %slice3A_543 = vector.extract_strided_slice %get3A_42 {offsets = [10], sizes = [1], strides = [1]} : vector<16xf32> to vector<1xf32>
      %squeeze3A_544 = vector.extract %slice3A_543[0] : f32 from vector<1xf32>
      %mul3A_545 = vector.broadcast %squeeze3A_544 : f32 to vector<16xf32>
      %mul3A_546 = arith.mulf %gather3A_522, %mul3A_545 : vector<16xf32>
      %add3A_547 = arith.addf %add3A_500, %mul3A_546 : vector<16xf32>
      %slice3A_548 = vector.extract_strided_slice %get3A_44 {offsets = [10], sizes = [1], strides = [1]} : vector<16xf32> to vector<1xf32>
      %squeeze3A_549 = vector.extract %slice3A_548[0] : f32 from vector<1xf32>
      %mul3A_550 = vector.broadcast %squeeze3A_549 : f32 to vector<16xf32>
      %mul3A_551 = arith.mulf %gather3A_522, %mul3A_550 : vector<16xf32>
      %add3A_552 = arith.addf %add3A_505, %mul3A_551 : vector<16xf32>
      %slice3A_553 = vector.extract_strided_slice %get3A_46 {offsets = [10], sizes = [1], strides = [1]} : vector<16xf32> to vector<1xf32>
      %squeeze3A_554 = vector.extract %slice3A_553[0] : f32 from vector<1xf32>
      %mul3A_555 = vector.broadcast %squeeze3A_554 : f32 to vector<16xf32>
      %mul3A_556 = arith.mulf %gather3A_522, %mul3A_555 : vector<16xf32>
      %add3A_557 = arith.addf %add3A_510, %mul3A_556 : vector<16xf32>
      %slice3A_558 = vector.extract_strided_slice %get3A_48 {offsets = [10], sizes = [1], strides = [1]} : vector<16xf32> to vector<1xf32>
      %squeeze3A_559 = vector.extract %slice3A_558[0] : f32 from vector<1xf32>
      %mul3A_560 = vector.broadcast %squeeze3A_559 : f32 to vector<16xf32>
      %mul3A_561 = arith.mulf %gather3A_522, %mul3A_560 : vector<16xf32>
      %add3A_562 = arith.addf %add3A_515, %mul3A_561 : vector<16xf32>
      %mul3A_563 = arith.constant 256 : i32
      %mul3A_564 = arith.muli %scan3A_33, %mul3A_563 : i32
      %add3A_565 = arith.constant 11 : i32
      %add3A_566 = arith.addi %mul3A_564, %add3A_565 : i32
      %add3A_567 = vector.broadcast %add3A_566 : i32 to vector<16xi32>
      %add3A_568 = arith.addi %mul3A_15, %add3A_567 : vector<16xi32>
      %gather3A_569 = tpu.vector_load_idx %arg8[%add3A_568] : memref<1024xf32, #tpu.memory_space<vmem>>[vector<16xi32>], vector<16xf32>,
      %slice3A_570 = vector.extract_strided_slice %get3A_34 {offsets = [11], sizes = [1], strides = [1]} : vector<16xf32> to vector<1xf32>
      %squeeze3A_571 = vector.extract %slice3A_570[0] : f32 from vector<1xf32>
      %mul3A_572 = vector.broadcast %squeeze3A_571 : f32 to vector<16xf32>
      %mul3A_573 = arith.mulf %gather3A_569, %mul3A_572 : vector<16xf32>
      %add3A_574 = arith.addf %add3A_527, %mul3A_573 : vector<16xf32>
      %slice3A_575 = vector.extract_strided_slice %get3A_36 {offsets = [11], sizes = [1], strides = [1]} : vector<16xf32> to vector<1xf32>
      %squeeze3A_576 = vector.extract %slice3A_575[0] : f32 from vector<1xf32>
      %mul3A_577 = vector.broadcast %squeeze3A_576 : f32 to vector<16xf32>
      %mul3A_578 = arith.mulf %gather3A_569, %mul3A_577 : vector<16xf32>
      %add3A_579 = arith.addf %add3A_532, %mul3A_578 : vector<16xf32>
      %slice3A_580 = vector.extract_strided_slice %get3A_38 {offsets = [11], sizes = [1], strides = [1]} : vector<16xf32> to vector<1xf32>
      %squeeze3A_581 = vector.extract %slice3A_580[0] : f32 from vector<1xf32>
      %mul3A_582 = vector.broadcast %squeeze3A_581 : f32 to vector<16xf32>
      %mul3A_583 = arith.mulf %gather3A_569, %mul3A_582 : vector<16xf32>
      %add3A_584 = arith.addf %add3A_537, %mul3A_583 : vector<16xf32>
      %slice3A_585 = vector.extract_strided_slice %get3A_40 {offsets = [11], sizes = [1], strides = [1]} : vector<16xf32> to vector<1xf32>
      %squeeze3A_586 = vector.extract %slice3A_585[0] : f32 from vector<1xf32>
      %mul3A_587 = vector.broadcast %squeeze3A_586 : f32 to vector<16xf32>
      %mul3A_588 = arith.mulf %gather3A_569, %mul3A_587 : vector<16xf32>
      %add3A_589 = arith.addf %add3A_542, %mul3A_588 : vector<16xf32>
      %slice3A_590 = vector.extract_strided_slice %get3A_42 {offsets = [11], sizes = [1], strides = [1]} : vector<16xf32> to vector<1xf32>
      %squeeze3A_591 = vector.extract %slice3A_590[0] : f32 from vector<1xf32>
      %mul3A_592 = vector.broadcast %squeeze3A_591 : f32 to vector<16xf32>
      %mul3A_593 = arith.mulf %gather3A_569, %mul3A_592 : vector<16xf32>
      %add3A_594 = arith.addf %add3A_547, %mul3A_593 : vector<16xf32>
      %slice3A_595 = vector.extract_strided_slice %get3A_44 {offsets = [11], sizes = [1], strides = [1]} : vector<16xf32> to vector<1xf32>
      %squeeze3A_596 = vector.extract %slice3A_595[0] : f32 from vector<1xf32>
      %mul3A_597 = vector.broadcast %squeeze3A_596 : f32 to vector<16xf32>
      %mul3A_598 = arith.mulf %gather3A_569, %mul3A_597 : vector<16xf32>
      %add3A_599 = arith.addf %add3A_552, %mul3A_598 : vector<16xf32>
      %slice3A_600 = vector.extract_strided_slice %get3A_46 {offsets = [11], sizes = [1], strides = [1]} : vector<16xf32> to vector<1xf32>
      %squeeze3A_601 = vector.extract %slice3A_600[0] : f32 from vector<1xf32>
      %mul3A_602 = vector.broadcast %squeeze3A_601 : f32 to vector<16xf32>
      %mul3A_603 = arith.mulf %gather3A_569, %mul3A_602 : vector<16xf32>
      %add3A_604 = arith.addf %add3A_557, %mul3A_603 : vector<16xf32>
      %slice3A_605 = vector.extract_strided_slice %get3A_48 {offsets = [11], sizes = [1], strides = [1]} : vector<16xf32> to vector<1xf32>
      %squeeze3A_606 = vector.extract %slice3A_605[0] : f32 from vector<1xf32>
      %mul3A_607 = vector.broadcast %squeeze3A_606 : f32 to vector<16xf32>
      %mul3A_608 = arith.mulf %gather3A_569, %mul3A_607 : vector<16xf32>
      %add3A_609 = arith.addf %add3A_562, %mul3A_608 : vector<16xf32>
      %mul3A_610 = arith.constant 256 : i32
      %mul3A_611 = arith.muli %scan3A_33, %mul3A_610 : i32
      %add3A_612 = arith.constant 12 : i32
      %add3A_613 = arith.addi %mul3A_611, %add3A_612 : i32
      %add3A_614 = vector.broadcast %add3A_613 : i32 to vector<16xi32>
      %add3A_615 = arith.addi %mul3A_15, %add3A_614 : vector<16xi32>
      %gather3A_616 = tpu.vector_load_idx %arg8[%add3A_615] : memref<1024xf32, #tpu.memory_space<vmem>>[vector<16xi32>], vector<16xf32>,
      %slice3A_617 = vector.extract_strided_slice %get3A_34 {offsets = [12], sizes = [1], strides = [1]} : vector<16xf32> to vector<1xf32>
      %squeeze3A_618 = vector.extract %slice3A_617[0] : f32 from vector<1xf32>
      %mul3A_619 = vector.broadcast %squeeze3A_618 : f32 to vector<16xf32>
      %mul3A_620 = arith.mulf %gather3A_616, %mul3A_619 : vector<16xf32>
      %add3A_621 = arith.addf %add3A_574, %mul3A_620 : vector<16xf32>
      %slice3A_622 = vector.extract_strided_slice %get3A_36 {offsets = [12], sizes = [1], strides = [1]} : vector<16xf32> to vector<1xf32>
      %squeeze3A_623 = vector.extract %slice3A_622[0] : f32 from vector<1xf32>
      %mul3A_624 = vector.broadcast %squeeze3A_623 : f32 to vector<16xf32>
      %mul3A_625 = arith.mulf %gather3A_616, %mul3A_624 : vector<16xf32>
      %add3A_626 = arith.addf %add3A_579, %mul3A_625 : vector<16xf32>
      %slice3A_627 = vector.extract_strided_slice %get3A_38 {offsets = [12], sizes = [1], strides = [1]} : vector<16xf32> to vector<1xf32>
      %squeeze3A_628 = vector.extract %slice3A_627[0] : f32 from vector<1xf32>
      %mul3A_629 = vector.broadcast %squeeze3A_628 : f32 to vector<16xf32>
      %mul3A_630 = arith.mulf %gather3A_616, %mul3A_629 : vector<16xf32>
      %add3A_631 = arith.addf %add3A_584, %mul3A_630 : vector<16xf32>
      %slice3A_632 = vector.extract_strided_slice %get3A_40 {offsets = [12], sizes = [1], strides = [1]} : vector<16xf32> to vector<1xf32>
      %squeeze3A_633 = vector.extract %slice3A_632[0] : f32 from vector<1xf32>
      %mul3A_634 = vector.broadcast %squeeze3A_633 : f32 to vector<16xf32>
      %mul3A_635 = arith.mulf %gather3A_616, %mul3A_634 : vector<16xf32>
      %add3A_636 = arith.addf %add3A_589, %mul3A_635 : vector<16xf32>
      %slice3A_637 = vector.extract_strided_slice %get3A_42 {offsets = [12], sizes = [1], strides = [1]} : vector<16xf32> to vector<1xf32>
      %squeeze3A_638 = vector.extract %slice3A_637[0] : f32 from vector<1xf32>
      %mul3A_639 = vector.broadcast %squeeze3A_638 : f32 to vector<16xf32>
      %mul3A_640 = arith.mulf %gather3A_616, %mul3A_639 : vector<16xf32>
      %add3A_641 = arith.addf %add3A_594, %mul3A_640 : vector<16xf32>
      %slice3A_642 = vector.extract_strided_slice %get3A_44 {offsets = [12], sizes = [1], strides = [1]} : vector<16xf32> to vector<1xf32>
      %squeeze3A_643 = vector.extract %slice3A_642[0] : f32 from vector<1xf32>
      %mul3A_644 = vector.broadcast %squeeze3A_643 : f32 to vector<16xf32>
      %mul3A_645 = arith.mulf %gather3A_616, %mul3A_644 : vector<16xf32>
      %add3A_646 = arith.addf %add3A_599, %mul3A_645 : vector<16xf32>
      %slice3A_647 = vector.extract_strided_slice %get3A_46 {offsets = [12], sizes = [1], strides = [1]} : vector<16xf32> to vector<1xf32>
      %squeeze3A_648 = vector.extract %slice3A_647[0] : f32 from vector<1xf32>
      %mul3A_649 = vector.broadcast %squeeze3A_648 : f32 to vector<16xf32>
      %mul3A_650 = arith.mulf %gather3A_616, %mul3A_649 : vector<16xf32>
      %add3A_651 = arith.addf %add3A_604, %mul3A_650 : vector<16xf32>
      %slice3A_652 = vector.extract_strided_slice %get3A_48 {offsets = [12], sizes = [1], strides = [1]} : vector<16xf32> to vector<1xf32>
      %squeeze3A_653 = vector.extract %slice3A_652[0] : f32 from vector<1xf32>
      %mul3A_654 = vector.broadcast %squeeze3A_653 : f32 to vector<16xf32>
      %mul3A_655 = arith.mulf %gather3A_616, %mul3A_654 : vector<16xf32>
      %add3A_656 = arith.addf %add3A_609, %mul3A_655 : vector<16xf32>
      %mul3A_657 = arith.constant 256 : i32
      %mul3A_658 = arith.muli %scan3A_33, %mul3A_657 : i32
      %add3A_659 = arith.constant 13 : i32
      %add3A_660 = arith.addi %mul3A_658, %add3A_659 : i32
      %add3A_661 = vector.broadcast %add3A_660 : i32 to vector<16xi32>
      %add3A_662 = arith.addi %mul3A_15, %add3A_661 : vector<16xi32>
      %gather3A_663 = tpu.vector_load_idx %arg8[%add3A_662] : memref<1024xf32, #tpu.memory_space<vmem>>[vector<16xi32>], vector<16xf32>,
      %slice3A_664 = vector.extract_strided_slice %get3A_34 {offsets = [13], sizes = [1], strides = [1]} : vector<16xf32> to vector<1xf32>
      %squeeze3A_665 = vector.extract %slice3A_664[0] : f32 from vector<1xf32>
      %mul3A_666 = vector.broadcast %squeeze3A_665 : f32 to vector<16xf32>
      %mul3A_667 = arith.mulf %gather3A_663, %mul3A_666 : vector<16xf32>
      %add3A_668 = arith.addf %add3A_621, %mul3A_667 : vector<16xf32>
      %slice3A_669 = vector.extract_strided_slice %get3A_36 {offsets = [13], sizes = [1], strides = [1]} : vector<16xf32> to vector<1xf32>
      %squeeze3A_670 = vector.extract %slice3A_669[0] : f32 from vector<1xf32>
      %mul3A_671 = vector.broadcast %squeeze3A_670 : f32 to vector<16xf32>
      %mul3A_672 = arith.mulf %gather3A_663, %mul3A_671 : vector<16xf32>
      %add3A_673 = arith.addf %add3A_626, %mul3A_672 : vector<16xf32>
      %slice3A_674 = vector.extract_strided_slice %get3A_38 {offsets = [13], sizes = [1], strides = [1]} : vector<16xf32> to vector<1xf32>
      %squeeze3A_675 = vector.extract %slice3A_674[0] : f32 from vector<1xf32>
      %mul3A_676 = vector.broadcast %squeeze3A_675 : f32 to vector<16xf32>
      %mul3A_677 = arith.mulf %gather3A_663, %mul3A_676 : vector<16xf32>
      %add3A_678 = arith.addf %add3A_631, %mul3A_677 : vector<16xf32>
      %slice3A_679 = vector.extract_strided_slice %get3A_40 {offsets = [13], sizes = [1], strides = [1]} : vector<16xf32> to vector<1xf32>
      %squeeze3A_680 = vector.extract %slice3A_679[0] : f32 from vector<1xf32>
      %mul3A_681 = vector.broadcast %squeeze3A_680 : f32 to vector<16xf32>
      %mul3A_682 = arith.mulf %gather3A_663, %mul3A_681 : vector<16xf32>
      %add3A_683 = arith.addf %add3A_636, %mul3A_682 : vector<16xf32>
      %slice3A_684 = vector.extract_strided_slice %get3A_42 {offsets = [13], sizes = [1], strides = [1]} : vector<16xf32> to vector<1xf32>
      %squeeze3A_685 = vector.extract %slice3A_684[0] : f32 from vector<1xf32>
      %mul3A_686 = vector.broadcast %squeeze3A_685 : f32 to vector<16xf32>
      %mul3A_687 = arith.mulf %gather3A_663, %mul3A_686 : vector<16xf32>
      %add3A_688 = arith.addf %add3A_641, %mul3A_687 : vector<16xf32>
      %slice3A_689 = vector.extract_strided_slice %get3A_44 {offsets = [13], sizes = [1], strides = [1]} : vector<16xf32> to vector<1xf32>
      %squeeze3A_690 = vector.extract %slice3A_689[0] : f32 from vector<1xf32>
      %mul3A_691 = vector.broadcast %squeeze3A_690 : f32 to vector<16xf32>
      %mul3A_692 = arith.mulf %gather3A_663, %mul3A_691 : vector<16xf32>
      %add3A_693 = arith.addf %add3A_646, %mul3A_692 : vector<16xf32>
      %slice3A_694 = vector.extract_strided_slice %get3A_46 {offsets = [13], sizes = [1], strides = [1]} : vector<16xf32> to vector<1xf32>
      %squeeze3A_695 = vector.extract %slice3A_694[0] : f32 from vector<1xf32>
      %mul3A_696 = vector.broadcast %squeeze3A_695 : f32 to vector<16xf32>
      %mul3A_697 = arith.mulf %gather3A_663, %mul3A_696 : vector<16xf32>
      %add3A_698 = arith.addf %add3A_651, %mul3A_697 : vector<16xf32>
      %slice3A_699 = vector.extract_strided_slice %get3A_48 {offsets = [13], sizes = [1], strides = [1]} : vector<16xf32> to vector<1xf32>
      %squeeze3A_700 = vector.extract %slice3A_699[0] : f32 from vector<1xf32>
      %mul3A_701 = vector.broadcast %squeeze3A_700 : f32 to vector<16xf32>
      %mul3A_702 = arith.mulf %gather3A_663, %mul3A_701 : vector<16xf32>
      %add3A_703 = arith.addf %add3A_656, %mul3A_702 : vector<16xf32>
      %mul3A_704 = arith.constant 256 : i32
      %mul3A_705 = arith.muli %scan3A_33, %mul3A_704 : i32
      %add3A_706 = arith.constant 14 : i32
      %add3A_707 = arith.addi %mul3A_705, %add3A_706 : i32
      %add3A_708 = vector.broadcast %add3A_707 : i32 to vector<16xi32>
      %add3A_709 = arith.addi %mul3A_15, %add3A_708 : vector<16xi32>
      %gather3A_710 = tpu.vector_load_idx %arg8[%add3A_709] : memref<1024xf32, #tpu.memory_space<vmem>>[vector<16xi32>], vector<16xf32>,
      %slice3A_711 = vector.extract_strided_slice %get3A_34 {offsets = [14], sizes = [1], strides = [1]} : vector<16xf32> to vector<1xf32>
      %squeeze3A_712 = vector.extract %slice3A_711[0] : f32 from vector<1xf32>
      %mul3A_713 = vector.broadcast %squeeze3A_712 : f32 to vector<16xf32>
      %mul3A_714 = arith.mulf %gather3A_710, %mul3A_713 : vector<16xf32>
      %add3A_715 = arith.addf %add3A_668, %mul3A_714 : vector<16xf32>
      %slice3A_716 = vector.extract_strided_slice %get3A_36 {offsets = [14], sizes = [1], strides = [1]} : vector<16xf32> to vector<1xf32>
      %squeeze3A_717 = vector.extract %slice3A_716[0] : f32 from vector<1xf32>
      %mul3A_718 = vector.broadcast %squeeze3A_717 : f32 to vector<16xf32>
      %mul3A_719 = arith.mulf %gather3A_710, %mul3A_718 : vector<16xf32>
      %add3A_720 = arith.addf %add3A_673, %mul3A_719 : vector<16xf32>
      %slice3A_721 = vector.extract_strided_slice %get3A_38 {offsets = [14], sizes = [1], strides = [1]} : vector<16xf32> to vector<1xf32>
      %squeeze3A_722 = vector.extract %slice3A_721[0] : f32 from vector<1xf32>
      %mul3A_723 = vector.broadcast %squeeze3A_722 : f32 to vector<16xf32>
      %mul3A_724 = arith.mulf %gather3A_710, %mul3A_723 : vector<16xf32>
      %add3A_725 = arith.addf %add3A_678, %mul3A_724 : vector<16xf32>
      %slice3A_726 = vector.extract_strided_slice %get3A_40 {offsets = [14], sizes = [1], strides = [1]} : vector<16xf32> to vector<1xf32>
      %squeeze3A_727 = vector.extract %slice3A_726[0] : f32 from vector<1xf32>
      %mul3A_728 = vector.broadcast %squeeze3A_727 : f32 to vector<16xf32>
      %mul3A_729 = arith.mulf %gather3A_710, %mul3A_728 : vector<16xf32>
      %add3A_730 = arith.addf %add3A_683, %mul3A_729 : vector<16xf32>
      %slice3A_731 = vector.extract_strided_slice %get3A_42 {offsets = [14], sizes = [1], strides = [1]} : vector<16xf32> to vector<1xf32>
      %squeeze3A_732 = vector.extract %slice3A_731[0] : f32 from vector<1xf32>
      %mul3A_733 = vector.broadcast %squeeze3A_732 : f32 to vector<16xf32>
      %mul3A_734 = arith.mulf %gather3A_710, %mul3A_733 : vector<16xf32>
      %add3A_735 = arith.addf %add3A_688, %mul3A_734 : vector<16xf32>
      %slice3A_736 = vector.extract_strided_slice %get3A_44 {offsets = [14], sizes = [1], strides = [1]} : vector<16xf32> to vector<1xf32>
      %squeeze3A_737 = vector.extract %slice3A_736[0] : f32 from vector<1xf32>
      %mul3A_738 = vector.broadcast %squeeze3A_737 : f32 to vector<16xf32>
      %mul3A_739 = arith.mulf %gather3A_710, %mul3A_738 : vector<16xf32>
      %add3A_740 = arith.addf %add3A_693, %mul3A_739 : vector<16xf32>
      %slice3A_741 = vector.extract_strided_slice %get3A_46 {offsets = [14], sizes = [1], strides = [1]} : vector<16xf32> to vector<1xf32>
      %squeeze3A_742 = vector.extract %slice3A_741[0] : f32 from vector<1xf32>
      %mul3A_743 = vector.broadcast %squeeze3A_742 : f32 to vector<16xf32>
      %mul3A_744 = arith.mulf %gather3A_710, %mul3A_743 : vector<16xf32>
      %add3A_745 = arith.addf %add3A_698, %mul3A_744 : vector<16xf32>
      %slice3A_746 = vector.extract_strided_slice %get3A_48 {offsets = [14], sizes = [1], strides = [1]} : vector<16xf32> to vector<1xf32>
      %squeeze3A_747 = vector.extract %slice3A_746[0] : f32 from vector<1xf32>
      %mul3A_748 = vector.broadcast %squeeze3A_747 : f32 to vector<16xf32>
      %mul3A_749 = arith.mulf %gather3A_710, %mul3A_748 : vector<16xf32>
      %add3A_750 = arith.addf %add3A_703, %mul3A_749 : vector<16xf32>
      %mul3A_751 = arith.constant 256 : i32
      %mul3A_752 = arith.muli %scan3A_33, %mul3A_751 : i32
      %add3A_753 = arith.constant 15 : i32
      %add3A_754 = arith.addi %mul3A_752, %add3A_753 : i32
      %add3A_755 = vector.broadcast %add3A_754 : i32 to vector<16xi32>
      %add3A_756 = arith.addi %mul3A_15, %add3A_755 : vector<16xi32>
      %gather3A_757 = tpu.vector_load_idx %arg8[%add3A_756] : memref<1024xf32, #tpu.memory_space<vmem>>[vector<16xi32>], vector<16xf32>,
      %slice3A_758 = vector.extract_strided_slice %get3A_34 {offsets = [15], sizes = [1], strides = [1]} : vector<16xf32> to vector<1xf32>
      %squeeze3A_759 = vector.extract %slice3A_758[0] : f32 from vector<1xf32>
      %mul3A_760 = vector.broadcast %squeeze3A_759 : f32 to vector<16xf32>
      %mul3A_761 = arith.mulf %gather3A_757, %mul3A_760 : vector<16xf32>
      %add3A_762 = arith.addf %add3A_715, %mul3A_761 : vector<16xf32>
      %slice3A_763 = vector.extract_strided_slice %get3A_36 {offsets = [15], sizes = [1], strides = [1]} : vector<16xf32> to vector<1xf32>
      %squeeze3A_764 = vector.extract %slice3A_763[0] : f32 from vector<1xf32>
      %mul3A_765 = vector.broadcast %squeeze3A_764 : f32 to vector<16xf32>
      %mul3A_766 = arith.mulf %gather3A_757, %mul3A_765 : vector<16xf32>
      %add3A_767 = arith.addf %add3A_720, %mul3A_766 : vector<16xf32>
      %slice3A_768 = vector.extract_strided_slice %get3A_38 {offsets = [15], sizes = [1], strides = [1]} : vector<16xf32> to vector<1xf32>
      %squeeze3A_769 = vector.extract %slice3A_768[0] : f32 from vector<1xf32>
      %mul3A_770 = vector.broadcast %squeeze3A_769 : f32 to vector<16xf32>
      %mul3A_771 = arith.mulf %gather3A_757, %mul3A_770 : vector<16xf32>
      %add3A_772 = arith.addf %add3A_725, %mul3A_771 : vector<16xf32>
      %slice3A_773 = vector.extract_strided_slice %get3A_40 {offsets = [15], sizes = [1], strides = [1]} : vector<16xf32> to vector<1xf32>
      %squeeze3A_774 = vector.extract %slice3A_773[0] : f32 from vector<1xf32>
      %mul3A_775 = vector.broadcast %squeeze3A_774 : f32 to vector<16xf32>
      %mul3A_776 = arith.mulf %gather3A_757, %mul3A_775 : vector<16xf32>
      %add3A_777 = arith.addf %add3A_730, %mul3A_776 : vector<16xf32>
      %slice3A_778 = vector.extract_strided_slice %get3A_42 {offsets = [15], sizes = [1], strides = [1]} : vector<16xf32> to vector<1xf32>
      %squeeze3A_779 = vector.extract %slice3A_778[0] : f32 from vector<1xf32>
      %mul3A_780 = vector.broadcast %squeeze3A_779 : f32 to vector<16xf32>
      %mul3A_781 = arith.mulf %gather3A_757, %mul3A_780 : vector<16xf32>
      %add3A_782 = arith.addf %add3A_735, %mul3A_781 : vector<16xf32>
      %slice3A_783 = vector.extract_strided_slice %get3A_44 {offsets = [15], sizes = [1], strides = [1]} : vector<16xf32> to vector<1xf32>
      %squeeze3A_784 = vector.extract %slice3A_783[0] : f32 from vector<1xf32>
      %mul3A_785 = vector.broadcast %squeeze3A_784 : f32 to vector<16xf32>
      %mul3A_786 = arith.mulf %gather3A_757, %mul3A_785 : vector<16xf32>
      %add3A_787 = arith.addf %add3A_740, %mul3A_786 : vector<16xf32>
      %slice3A_788 = vector.extract_strided_slice %get3A_46 {offsets = [15], sizes = [1], strides = [1]} : vector<16xf32> to vector<1xf32>
      %squeeze3A_789 = vector.extract %slice3A_788[0] : f32 from vector<1xf32>
      %mul3A_790 = vector.broadcast %squeeze3A_789 : f32 to vector<16xf32>
      %mul3A_791 = arith.mulf %gather3A_757, %mul3A_790 : vector<16xf32>
      %add3A_792 = arith.addf %add3A_745, %mul3A_791 : vector<16xf32>
      %slice3A_793 = vector.extract_strided_slice %get3A_48 {offsets = [15], sizes = [1], strides = [1]} : vector<16xf32> to vector<1xf32>
      %squeeze3A_794 = vector.extract %slice3A_793[0] : f32 from vector<1xf32>
      %mul3A_795 = vector.broadcast %squeeze3A_794 : f32 to vector<16xf32>
      %mul3A_796 = arith.mulf %gather3A_757, %mul3A_795 : vector<16xf32>
      %add3A_797 = arith.addf %add3A_750, %mul3A_796 : vector<16xf32>
      %mul3A_798 = arith.constant 128 : i32
      %mul3A_799 = arith.muli %scan3A_33, %mul3A_798 : i32
      %add3A_800 = arith.constant 0 : i32
      %add3A_801 = arith.addi %mul3A_799, %add3A_800 : i32
      %add3A_802 = vector.broadcast %add3A_801 : i32 to vector<16xi32>
      %add3A_803 = arith.addi %mul3A_12, %add3A_802 : vector<16xi32>
      tpu.vector_store_idx %arg11[%add3A_803], %add3A_762 : memref<512xf32, #tpu.memory_space<vmem>>[vector<16xi32>], vector<16xf32>,
      %mul3A_804 = arith.constant 128 : i32
      %mul3A_805 = arith.muli %scan3A_33, %mul3A_804 : i32
      %add3A_806 = arith.constant 1 : i32
      %add3A_807 = arith.addi %mul3A_805, %add3A_806 : i32
      %add3A_808 = vector.broadcast %add3A_807 : i32 to vector<16xi32>
      %add3A_809 = arith.addi %mul3A_12, %add3A_808 : vector<16xi32>
      tpu.vector_store_idx %arg11[%add3A_809], %add3A_767 : memref<512xf32, #tpu.memory_space<vmem>>[vector<16xi32>], vector<16xf32>,
      %mul3A_810 = arith.constant 128 : i32
      %mul3A_811 = arith.muli %scan3A_33, %mul3A_810 : i32
      %add3A_812 = arith.constant 2 : i32
      %add3A_813 = arith.addi %mul3A_811, %add3A_812 : i32
      %add3A_814 = vector.broadcast %add3A_813 : i32 to vector<16xi32>
      %add3A_815 = arith.addi %mul3A_12, %add3A_814 : vector<16xi32>
      tpu.vector_store_idx %arg11[%add3A_815], %add3A_772 : memref<512xf32, #tpu.memory_space<vmem>>[vector<16xi32>], vector<16xf32>,
      %mul3A_816 = arith.constant 128 : i32
      %mul3A_817 = arith.muli %scan3A_33, %mul3A_816 : i32
      %add3A_818 = arith.constant 3 : i32
      %add3A_819 = arith.addi %mul3A_817, %add3A_818 : i32
      %add3A_820 = vector.broadcast %add3A_819 : i32 to vector<16xi32>
      %add3A_821 = arith.addi %mul3A_12, %add3A_820 : vector<16xi32>
      tpu.vector_store_idx %arg11[%add3A_821], %add3A_777 : memref<512xf32, #tpu.memory_space<vmem>>[vector<16xi32>], vector<16xf32>,
      %mul3A_822 = arith.constant 128 : i32
      %mul3A_823 = arith.muli %scan3A_33, %mul3A_822 : i32
      %add3A_824 = arith.constant 4 : i32
      %add3A_825 = arith.addi %mul3A_823, %add3A_824 : i32
      %add3A_826 = vector.broadcast %add3A_825 : i32 to vector<16xi32>
      %add3A_827 = arith.addi %mul3A_12, %add3A_826 : vector<16xi32>
      tpu.vector_store_idx %arg11[%add3A_827], %add3A_782 : memref<512xf32, #tpu.memory_space<vmem>>[vector<16xi32>], vector<16xf32>,
      %mul3A_828 = arith.constant 128 : i32
      %mul3A_829 = arith.muli %scan3A_33, %mul3A_828 : i32
      %add3A_830 = arith.constant 5 : i32
      %add3A_831 = arith.addi %mul3A_829, %add3A_830 : i32
      %add3A_832 = vector.broadcast %add3A_831 : i32 to vector<16xi32>
      %add3A_833 = arith.addi %mul3A_12, %add3A_832 : vector<16xi32>
      tpu.vector_store_idx %arg11[%add3A_833], %add3A_787 : memref<512xf32, #tpu.memory_space<vmem>>[vector<16xi32>], vector<16xf32>,
      %mul3A_834 = arith.constant 128 : i32
      %mul3A_835 = arith.muli %scan3A_33, %mul3A_834 : i32
      %add3A_836 = arith.constant 6 : i32
      %add3A_837 = arith.addi %mul3A_835, %add3A_836 : i32
      %add3A_838 = vector.broadcast %add3A_837 : i32 to vector<16xi32>
      %add3A_839 = arith.addi %mul3A_12, %add3A_838 : vector<16xi32>
      tpu.vector_store_idx %arg11[%add3A_839], %add3A_792 : memref<512xf32, #tpu.memory_space<vmem>>[vector<16xi32>], vector<16xf32>,
      %mul3A_840 = arith.constant 128 : i32
      %mul3A_841 = arith.muli %scan3A_33, %mul3A_840 : i32
      %add3A_842 = arith.constant 7 : i32
      %add3A_843 = arith.addi %mul3A_841, %add3A_842 : i32
      %add3A_844 = vector.broadcast %add3A_843 : i32 to vector<16xi32>
      %add3A_845 = arith.addi %mul3A_12, %add3A_844 : vector<16xi32>
      tpu.vector_store_idx %arg11[%add3A_845], %add3A_797 : memref<512xf32, #tpu.memory_space<vmem>>[vector<16xi32>], vector<16xf32>,
    }
    %scan3A_21 = arith.constant 4 : i32
    %mul3A_22 = arith.constant 512 : i32
    %mul3A_23 = arith.muli %arg1, %mul3A_22 : i32
    "tpu.region"() ({
      %run_scoped3A = tpu.sem_alloc : memref<!tpu.dma_semaphore, #tpu.memory_space<semaphore_mem>>
      %dma_start3A_33 = tpu.memref_slice %arg14[%mul3A_23] : memref<8192xf32, #tpu.memory_space<vmem_shared>> -> memref<512xf32, #tpu.memory_space<vmem_shared>>
      %dma_start3A_34 = tpu.memref_slice %arg14[%mul3A_23] : memref<8192xf32, #tpu.memory_space<vmem_shared>> -> memref<512xf32, #tpu.memory_space<vmem_shared>>
      tpu.enqueue_dma source(%arg11 : memref<512xf32, #tpu.memory_space<vmem>>) target(%dma_start3A_34 : memref<512xf32, #tpu.memory_space<vmem_shared>>) target_semaphore(%run_scoped3A : memref<!tpu.dma_semaphore, #tpu.memory_space<semaphore_mem>>)
      %dma_wait3A_35 = tpu.memref_slice %arg14[%mul3A_23] : memref<8192xf32, #tpu.memory_space<vmem_shared>> -> memref<512xf32, #tpu.memory_space<vmem_shared>>
      %dma_wait3A_36 = tpu.memref_slice %arg14[%mul3A_23] : memref<8192xf32, #tpu.memory_space<vmem_shared>> -> memref<512xf32, #tpu.memory_space<vmem_shared>>
      tpu.wait_dma2 semaphore(%run_scoped3A : memref<!tpu.dma_semaphore, #tpu.memory_space<semaphore_mem>>) src(%arg11 : memref<512xf32, #tpu.memory_space<vmem>>) dst(%dma_wait3A_36 : memref<512xf32, #tpu.memory_space<vmem_shared>>)
      tpu.yield
    }) : () -> ()
    %barrier3A = arith.constant 0 : index
    tpu.barrier barrier_id(%barrier3A)
    "tpu.region"() ({
      %run_scoped3A = tpu.sem_alloc : memref<!tpu.dma_semaphore, #tpu.memory_space<semaphore_mem>>
      tpu.enqueue_dma source(%arg14 : memref<8192xf32, #tpu.memory_space<vmem_shared>>) target(%arg12 : memref<8192xf32, #tpu.memory_space<vmem>>) target_semaphore(%run_scoped3A : memref<!tpu.dma_semaphore, #tpu.memory_space<semaphore_mem>>)
      tpu.wait_dma2 semaphore(%run_scoped3A : memref<!tpu.dma_semaphore, #tpu.memory_space<semaphore_mem>>) src(%arg14 : memref<8192xf32, #tpu.memory_space<vmem_shared>>) dst(%arg12 : memref<8192xf32, #tpu.memory_space<vmem>>)
      tpu.yield
    }) : () -> ()
    %dma_wait3A = tpu.memref_slice %arg2[%mul3A_2] : memref<32768xi32, #tpu.memory_space<hbm>> -> memref<1024xi32, #tpu.memory_space<hbm>>
    %dma_wait3A_24 = tpu.memref_slice %arg2[%mul3A_2] : memref<32768xi32, #tpu.memory_space<hbm>> -> memref<1024xi32, #tpu.memory_space<hbm>>
    tpu.wait_dma2 semaphore(%arg16 : memref<!tpu.dma_semaphore, #tpu.memory_space<semaphore_mem>>) src(%dma_wait3A_24 : memref<1024xi32, #tpu.memory_space<hbm>>) dst(%arg7 : memref<1024xi32, #tpu.memory_space<vmem>>)
    tpu.wait_dma2 semaphore(%arg16 : memref<!tpu.dma_semaphore, #tpu.memory_space<semaphore_mem>>) src(%arg5 : memref<1xf32, #tpu.memory_space<hbm>>) dst(%arg10 : memref<1xf32, #tpu.memory_space<vmem>>)
    %scan3A_25 = arith.constant 0 : i32
    %scan3A_26 = arith.constant 0 : i32
    %scan3A_27 = arith.constant 8 : i32
    %scan3A_28 = arith.addi %scan3A_26, %scan3A_27 : i32
    %scan3A_29 = arith.constant 1 : i32
    scf.for %scan3A_33 = %scan3A_26 to %scan3A_28 step %scan3A_29  : i32 {
      %broadcast_in_dim3A_34 = arith.constant 0 : i32
      %broadcast_in_dim3A_35 = vector.broadcast %broadcast_in_dim3A_34 : i32 to vector<16xi32>
      %gather3A = tpu.vector_load_idx %arg10[%broadcast_in_dim3A_35] : memref<1xf32, #tpu.memory_space<vmem>>[vector<16xi32>], vector<16xf32>,
      %mul3A_36 = arith.constant 128 : i32
      %mul3A_37 = arith.muli %scan3A_33, %mul3A_36 : i32
      %add3A_38 = arith.constant 0 : i32
      %add3A_39 = arith.addi %mul3A_37, %add3A_38 : i32
      %add3A_40 = vector.broadcast %add3A_39 : i32 to vector<16xi32>
      %add3A_41 = arith.addi %mul3A_12, %add3A_40 : vector<16xi32>
      %gather3A_42 = tpu.vector_load_idx %arg7[%add3A_41] : memref<1024xi32, #tpu.memory_space<vmem>>[vector<16xi32>], vector<16xi32>,
      %mul3A_43 = arith.constant 8 : i32
      %mul3A_44 = vector.broadcast %mul3A_43 : i32 to vector<16xi32>
      %mul3A_45 = arith.muli %gather3A_42, %mul3A_44 : vector<16xi32>
      %add3A_46 = arith.constant 0 : i32
      %add3A_47 = vector.broadcast %add3A_46 : i32 to vector<16xi32>
      %add3A_48 = arith.addi %mul3A_45, %add3A_47 : vector<16xi32>
      %gather3A_49 = tpu.vector_load_idx %arg12[%add3A_48] : memref<8192xf32, #tpu.memory_space<vmem>>[vector<16xi32>], vector<16xf32>,
      %add3A_50 = arith.addf %gather3A, %gather3A_49 : vector<16xf32>
      %mul3A_51 = arith.constant 128 : i32
      %mul3A_52 = arith.muli %scan3A_33, %mul3A_51 : i32
      %add3A_53 = arith.constant 1 : i32
      %add3A_54 = arith.addi %mul3A_52, %add3A_53 : i32
      %add3A_55 = vector.broadcast %add3A_54 : i32 to vector<16xi32>
      %add3A_56 = arith.addi %mul3A_12, %add3A_55 : vector<16xi32>
      %gather3A_57 = tpu.vector_load_idx %arg7[%add3A_56] : memref<1024xi32, #tpu.memory_space<vmem>>[vector<16xi32>], vector<16xi32>,
      %mul3A_58 = arith.constant 8 : i32
      %mul3A_59 = vector.broadcast %mul3A_58 : i32 to vector<16xi32>
      %mul3A_60 = arith.muli %gather3A_57, %mul3A_59 : vector<16xi32>
      %add3A_61 = arith.constant 1 : i32
      %add3A_62 = vector.broadcast %add3A_61 : i32 to vector<16xi32>
      %add3A_63 = arith.addi %mul3A_60, %add3A_62 : vector<16xi32>
      %gather3A_64 = tpu.vector_load_idx %arg12[%add3A_63] : memref<8192xf32, #tpu.memory_space<vmem>>[vector<16xi32>], vector<16xf32>,
      %add3A_65 = arith.addf %add3A_50, %gather3A_64 : vector<16xf32>
      %mul3A_66 = arith.constant 128 : i32
      %mul3A_67 = arith.muli %scan3A_33, %mul3A_66 : i32
      %add3A_68 = arith.constant 2 : i32
      %add3A_69 = arith.addi %mul3A_67, %add3A_68 : i32
      %add3A_70 = vector.broadcast %add3A_69 : i32 to vector<16xi32>
      %add3A_71 = arith.addi %mul3A_12, %add3A_70 : vector<16xi32>
      %gather3A_72 = tpu.vector_load_idx %arg7[%add3A_71] : memref<1024xi32, #tpu.memory_space<vmem>>[vector<16xi32>], vector<16xi32>,
      %mul3A_73 = arith.constant 8 : i32
      %mul3A_74 = vector.broadcast %mul3A_73 : i32 to vector<16xi32>
      %mul3A_75 = arith.muli %gather3A_72, %mul3A_74 : vector<16xi32>
      %add3A_76 = arith.constant 2 : i32
      %add3A_77 = vector.broadcast %add3A_76 : i32 to vector<16xi32>
      %add3A_78 = arith.addi %mul3A_75, %add3A_77 : vector<16xi32>
      %gather3A_79 = tpu.vector_load_idx %arg12[%add3A_78] : memref<8192xf32, #tpu.memory_space<vmem>>[vector<16xi32>], vector<16xf32>,
      %add3A_80 = arith.addf %add3A_65, %gather3A_79 : vector<16xf32>
      %mul3A_81 = arith.constant 128 : i32
      %mul3A_82 = arith.muli %scan3A_33, %mul3A_81 : i32
      %add3A_83 = arith.constant 3 : i32
      %add3A_84 = arith.addi %mul3A_82, %add3A_83 : i32
      %add3A_85 = vector.broadcast %add3A_84 : i32 to vector<16xi32>
      %add3A_86 = arith.addi %mul3A_12, %add3A_85 : vector<16xi32>
      %gather3A_87 = tpu.vector_load_idx %arg7[%add3A_86] : memref<1024xi32, #tpu.memory_space<vmem>>[vector<16xi32>], vector<16xi32>,
      %mul3A_88 = arith.constant 8 : i32
      %mul3A_89 = vector.broadcast %mul3A_88 : i32 to vector<16xi32>
      %mul3A_90 = arith.muli %gather3A_87, %mul3A_89 : vector<16xi32>
      %add3A_91 = arith.constant 3 : i32
      %add3A_92 = vector.broadcast %add3A_91 : i32 to vector<16xi32>
      %add3A_93 = arith.addi %mul3A_90, %add3A_92 : vector<16xi32>
      %gather3A_94 = tpu.vector_load_idx %arg12[%add3A_93] : memref<8192xf32, #tpu.memory_space<vmem>>[vector<16xi32>], vector<16xf32>,
      %add3A_95 = arith.addf %add3A_80, %gather3A_94 : vector<16xf32>
      %mul3A_96 = arith.constant 128 : i32
      %mul3A_97 = arith.muli %scan3A_33, %mul3A_96 : i32
      %add3A_98 = arith.constant 4 : i32
      %add3A_99 = arith.addi %mul3A_97, %add3A_98 : i32
      %add3A_100 = vector.broadcast %add3A_99 : i32 to vector<16xi32>
      %add3A_101 = arith.addi %mul3A_12, %add3A_100 : vector<16xi32>
      %gather3A_102 = tpu.vector_load_idx %arg7[%add3A_101] : memref<1024xi32, #tpu.memory_space<vmem>>[vector<16xi32>], vector<16xi32>,
      %mul3A_103 = arith.constant 8 : i32
      %mul3A_104 = vector.broadcast %mul3A_103 : i32 to vector<16xi32>
      %mul3A_105 = arith.muli %gather3A_102, %mul3A_104 : vector<16xi32>
      %add3A_106 = arith.constant 4 : i32
      %add3A_107 = vector.broadcast %add3A_106 : i32 to vector<16xi32>
      %add3A_108 = arith.addi %mul3A_105, %add3A_107 : vector<16xi32>
      %gather3A_109 = tpu.vector_load_idx %arg12[%add3A_108] : memref<8192xf32, #tpu.memory_space<vmem>>[vector<16xi32>], vector<16xf32>,
      %add3A_110 = arith.addf %add3A_95, %gather3A_109 : vector<16xf32>
      %mul3A_111 = arith.constant 128 : i32
      %mul3A_112 = arith.muli %scan3A_33, %mul3A_111 : i32
      %add3A_113 = arith.constant 5 : i32
      %add3A_114 = arith.addi %mul3A_112, %add3A_113 : i32
      %add3A_115 = vector.broadcast %add3A_114 : i32 to vector<16xi32>
      %add3A_116 = arith.addi %mul3A_12, %add3A_115 : vector<16xi32>
      %gather3A_117 = tpu.vector_load_idx %arg7[%add3A_116] : memref<1024xi32, #tpu.memory_space<vmem>>[vector<16xi32>], vector<16xi32>,
      %mul3A_118 = arith.constant 8 : i32
      %mul3A_119 = vector.broadcast %mul3A_118 : i32 to vector<16xi32>
      %mul3A_120 = arith.muli %gather3A_117, %mul3A_119 : vector<16xi32>
      %add3A_121 = arith.constant 5 : i32
      %add3A_122 = vector.broadcast %add3A_121 : i32 to vector<16xi32>
      %add3A_123 = arith.addi %mul3A_120, %add3A_122 : vector<16xi32>
      %gather3A_124 = tpu.vector_load_idx %arg12[%add3A_123] : memref<8192xf32, #tpu.memory_space<vmem>>[vector<16xi32>], vector<16xf32>,
      %add3A_125 = arith.addf %add3A_110, %gather3A_124 : vector<16xf32>
      %mul3A_126 = arith.constant 128 : i32
      %mul3A_127 = arith.muli %scan3A_33, %mul3A_126 : i32
      %add3A_128 = arith.constant 6 : i32
      %add3A_129 = arith.addi %mul3A_127, %add3A_128 : i32
      %add3A_130 = vector.broadcast %add3A_129 : i32 to vector<16xi32>
      %add3A_131 = arith.addi %mul3A_12, %add3A_130 : vector<16xi32>
      %gather3A_132 = tpu.vector_load_idx %arg7[%add3A_131] : memref<1024xi32, #tpu.memory_space<vmem>>[vector<16xi32>], vector<16xi32>,
      %mul3A_133 = arith.constant 8 : i32
      %mul3A_134 = vector.broadcast %mul3A_133 : i32 to vector<16xi32>
      %mul3A_135 = arith.muli %gather3A_132, %mul3A_134 : vector<16xi32>
      %add3A_136 = arith.constant 6 : i32
      %add3A_137 = vector.broadcast %add3A_136 : i32 to vector<16xi32>
      %add3A_138 = arith.addi %mul3A_135, %add3A_137 : vector<16xi32>
      %gather3A_139 = tpu.vector_load_idx %arg12[%add3A_138] : memref<8192xf32, #tpu.memory_space<vmem>>[vector<16xi32>], vector<16xf32>,
      %add3A_140 = arith.addf %add3A_125, %gather3A_139 : vector<16xf32>
      %mul3A_141 = arith.constant 128 : i32
      %mul3A_142 = arith.muli %scan3A_33, %mul3A_141 : i32
      %add3A_143 = arith.constant 7 : i32
      %add3A_144 = arith.addi %mul3A_142, %add3A_143 : i32
      %add3A_145 = vector.broadcast %add3A_144 : i32 to vector<16xi32>
      %add3A_146 = arith.addi %mul3A_12, %add3A_145 : vector<16xi32>
      %gather3A_147 = tpu.vector_load_idx %arg7[%add3A_146] : memref<1024xi32, #tpu.memory_space<vmem>>[vector<16xi32>], vector<16xi32>,
      %mul3A_148 = arith.constant 8 : i32
      %mul3A_149 = vector.broadcast %mul3A_148 : i32 to vector<16xi32>
      %mul3A_150 = arith.muli %gather3A_147, %mul3A_149 : vector<16xi32>
      %add3A_151 = arith.constant 7 : i32
      %add3A_152 = vector.broadcast %add3A_151 : i32 to vector<16xi32>
      %add3A_153 = arith.addi %mul3A_150, %add3A_152 : vector<16xi32>
      %gather3A_154 = tpu.vector_load_idx %arg12[%add3A_153] : memref<8192xf32, #tpu.memory_space<vmem>>[vector<16xi32>], vector<16xf32>,
      %add3A_155 = arith.addf %add3A_140, %gather3A_154 : vector<16xf32>
      %sub3A = arith.subf %add3A_155, %add3A_155 : vector<16xf32>
      %exp3A = math.exp %sub3A : vector<16xf32>
      %div3A = arith.divf %exp3A, %exp3A : vector<16xf32>
      %mul3A_156 = arith.constant 16 : i32
      %mul3A_157 = arith.muli %scan3A_33, %mul3A_156 : i32
      %swap3A = arith.index_cast %mul3A_157 : i32 to index
      %swap3A_158 = tpu.vector_load %arg13[%swap3A] {strides = array<i32>} : memref<128xf32, #tpu.memory_space<vmem>>, vector<16xf32>,
      tpu.vector_store %arg13[%swap3A], %div3A {strides = array<i32>} : memref<128xf32, #tpu.memory_space<vmem>>, vector<16xf32>,
    }
    %scan3A_30 = arith.constant 8 : i32
    %mul3A_31 = arith.constant 128 : i32
    %mul3A_32 = arith.muli %add3A, %mul3A_31 : i32
    "tpu.region"() ({
      %run_scoped3A = tpu.sem_alloc : memref<!tpu.dma_semaphore, #tpu.memory_space<semaphore_mem>>
      %dma_start3A_33 = tpu.memref_slice %arg6[%mul3A_32] : memref<4096xf32, #tpu.memory_space<hbm>> -> memref<128xf32, #tpu.memory_space<hbm>>
      %dma_start3A_34 = tpu.memref_slice %arg6[%mul3A_32] : memref<4096xf32, #tpu.memory_space<hbm>> -> memref<128xf32, #tpu.memory_space<hbm>>
      tpu.enqueue_dma source(%arg13 : memref<128xf32, #tpu.memory_space<vmem>>) target(%dma_start3A_34 : memref<128xf32, #tpu.memory_space<hbm>>) target_semaphore(%run_scoped3A : memref<!tpu.dma_semaphore, #tpu.memory_space<semaphore_mem>>)
      %dma_wait3A_35 = tpu.memref_slice %arg6[%mul3A_32] : memref<4096xf32, #tpu.memory_space<hbm>> -> memref<128xf32, #tpu.memory_space<hbm>>
      %dma_wait3A_36 = tpu.memref_slice %arg6[%mul3A_32] : memref<4096xf32, #tpu.memory_space<hbm>> -> memref<128xf32, #tpu.memory_space<hbm>>
      tpu.wait_dma2 semaphore(%run_scoped3A : memref<!tpu.dma_semaphore, #tpu.memory_space<semaphore_mem>>) src(%arg13 : memref<128xf32, #tpu.memory_space<vmem>>) dst(%dma_wait3A_36 : memref<128xf32, #tpu.memory_space<hbm>>)
      tpu.yield
    }) : () -> ()
    return
  }
}

</mosaic_0001>

<sc_bundles>
// kernel: _run.3.cloned.1.call-start
scs
__scs_entry_jumppad:
0x0: {  	(pc) =	sbr.rel $0x88, $3  }
0x1: {  	(tag) =	ssettag $0x0;
	lr =	simm.s32 $0x1  }
0x2: {  	[smem:$0x3F9D] =	sst lr;
	_ =	strace $0xD0000000  }
0x3: {  	_ = 	snop  }
0x4: {  	_ = 	snop  }
0x5: {  	_ = 	snop  }
0x6: {  	_ = 	snop  }
0x7: {  	_ = 	snop  }
__scs_overlays_trampoline_lowered:
0x8: {  	[smem:$0x3FAC] =	sst s0  }
0x9: {  	[smem:$0x3FAD] =	sst s1  }
0xa: {  	[smem:$0x3FAE] =	sst s2  }
0xb: {  	[smem:$0x3FAF] =	sst s3  }
0xc: {  	[smem:$0x3FB0] =	sst s4  }
0xd: {  	[smem:$0x3FB1] =	sst s5  }
0xe: {  	[smem:$0x3FB2] =	sst s6  }
0xf: {  	[smem:$0x3FB3] =	sst s7  }
0x10: {  	[smem:$0x3FB4] =	sst s8  }
0x11: {  	[smem:$0x3FB5] =	sst s9;
	s0 =	simm.s32 @!p0 $0x0  }
0x12: {  	s1 =	sld [smem:$0x3F9B];
	s0 =	simm.s32 @p0 $0x1  }
0x13: {  	[smem:$0x3FB6] =	sst s0;
	s0 =	simm.s32 @!p1 $0x0  }
0x14: {  	s2 =	sld [smem:$0x3F9A];
	s0 =	simm.s32 @p1 $0x1  }
0x15: {  	[smem:$0x3FB7] =	sst s0;
	s0 =	simm.s32 @!p2 $0x0  }
0x16: {  	s3 =	sld [smem:$0x3FDB];
	s0 =	simm.s32 @p2 $0x1  }
0x17: {  	s4 =	simm.s32 $0x1BF5;
	[smem:$0x3FB9] =	sst s0  }
0x18: {  	s0 =	sld [smem:$0x3F9C];
	_ =	swait.ge [sflag:s4], $0x0  }
0x19: {  	s7 =	sld [smem:$0x3F9D]  }
0x1a: {  	s8 =	sadd.s32 $0xFFFFE003, lr  }
0x1b: {  	s9 =	sadd.s32 $0xFFFFFEF7, lr;
	s5 =	simm.s32 $0xFFFFFFFF;
	p2 =	slt.u32 s8, $0xFFFFF086  }
0x1c: {  	p1 =	slt.u32 s9, $0xF7A;
	s5 =	simm.s32 @!p2 $0x0  }
0x1d: {  	s5 =	simm.s32 @p1 $0x1;
	p0 =	seq.s32 s7, s2  }
0x1e: {  	s7 =	smul.u32 @!p0 $0xF7A, s2;
	p2 =	seq.s32 @!p0 s5, $0x0  }
0x1f: {  	s9 =	smul.u32 $0xF7A, s1;
	s8 =	simm.s32 @!p0 $0x1BF5;
	p2 =	por !p2, p0  }
0x20: {  	[sflag:s8] =	ssyncset.s32 @!p0 $0xFFFFF086;
	s6 =	sadd.s32 @!p0 s3, s7;
	s7 =	simm.s32 @!p0 $0x108  }
0x21: {  	s3 =	sadd.s32 s3, s9;
	s6 =	sadd.s32 @!p0 $0x88, s6;
	s7 =	simm.s32 @p2 $0x1082  }
0x22: {  	[simem:s7], [sflag:s8] =	dma.local @!p0 [hbm:s6], $0xF7A  }
0x23: {  	s9 =	sor.u32 $0xD0000000, s2;
	s6 =	simm.s32 $0x108;
	_ =	swait.ge @!p0 [sflag:s8], $0x0  }
0x24: {  	s3 =	sadd.s32 $0x88, s3;
	s6 =	simm.s32 @!p1 $0x1082;
	[sflag:s4] =	ssyncset.s32 $0xFFFFF086  }
0x25: {  	[simem:s6], [sflag:s4] =	dma.local [hbm:s3], $0xF7A  }
0x26: {  	[smem:$0x3F9D] =	sst s1;
	(tag) =	ssettag s2;
	_ =	strace s9  }
0x27: {  	s1 =	sld [smem:$0x3FAD]  }
0x28: {  	s2 =	sld [smem:$0x3FAE]  }
0x29: {  	s4 =	sld [smem:$0x3FB0]  }
0x2a: {  	p0 =	seq.s32 s5, $0x0;
	s5 =	sld [smem:$0x3FB1]  }
0x2b: {  	s6 =	sld [smem:$0x3FB2]  }
0x2c: {  	s7 =	sld [smem:$0x3FB3]  }
0x2d: {  	s3 =	simm.s32 $0x108;
	s8 =	sld [smem:$0x3FB4]  }
0x2e: {  	s3 =	simm.s32 @!p0 $0x1082;
	s9 =	sld [smem:$0x3FB5]  }
0x2f: {  	lr =	sadd.s32 s0, s3;
	s0 =	sld [smem:$0x3FAC]  }
0x30: {  	s3 =	sld [smem:$0x3FAF]  }
0x31: {  	[smem:$0x3FB8] =	sst s10  }
0x32: {  	s10 =	sld [smem:$0x3FB6];
	_ =	sdelay $0x3  }
0x33: {  	p0 =	seq.s32 s10, $0x1;
	s10 =	sld [smem:$0x3FB8];
	_ =	sdelay $0x3  }
0x34: {  	[smem:$0x3FB8] =	sst s10  }
0x35: {  	s10 =	sld [smem:$0x3FB7];
	_ =	sdelay $0x3  }
0x36: {  	p1 =	seq.s32 s10, $0x1;
	s10 =	sld [smem:$0x3FB8];
	_ =	sdelay $0x3  }
0x37: {  	[smem:$0x3FB8] =	sst s10  }
0x38: {  	s10 =	sld [smem:$0x3FB9]  }
0x39: {  	_ = 	snop;
	(pc) =	sbr.ind lr, $3  }
0x3a: {  	_ = 	snop  }
0x3b: {  	_ = 	snop  }
0x3c: {  	p2 =	seq.s32 s10, $0x1;
	s10 =	sld [smem:$0x3FB8]  }
0x3d: {  	_ =	shalt  }
0x3e: {  	_ =	shalt  }
0x3f: {  	_ =	shalt  }
0x40: {  	_ =	shalt  }
0x41: {  	_ =	shalt  }
0x42: {  	_ =	shalt  }
0x43: {  	_ =	shalt  }
0x44: {  	_ =	shalt  }
0x45: {  	_ =	shalt  }
0x46: {  	_ =	shalt  }
0x47: {  	_ =	shalt  }
0x48: {  	_ =	shalt  }
0x49: {  	_ =	shalt  }
0x4a: {  	_ =	shalt  }
0x4b: {  	_ =	shalt  }
0x4c: {  	_ =	shalt  }
0x4d: {  	_ =	shalt  }
0x4e: {  	_ =	shalt  }
0x4f: {  	_ =	shalt  }
0x50: {  	_ =	shalt  }
0x51: {  	_ =	shalt  }
0x52: {  	_ =	shalt  }
0x53: {  	_ =	shalt  }
0x54: {  	_ =	shalt  }
0x55: {  	_ =	shalt  }
0x56: {  	_ =	shalt  }
0x57: {  	_ =	shalt  }
0x58: {  	_ =	shalt  }
0x59: {  	_ =	shalt  }
0x5a: {  	_ =	shalt  }
0x5b: {  	_ =	shalt  }
0x5c: {  	_ =	shalt  }
0x5d: {  	_ =	shalt  }
0x5e: {  	_ =	shalt  }
0x5f: {  	_ =	shalt  }
0x60: {  	_ =	shalt  }
0x61: {  	_ =	shalt  }
0x62: {  	_ =	shalt  }
0x63: {  	_ =	shalt  }
0x64: {  	_ =	shalt  }
0x65: {  	_ =	shalt  }
0x66: {  	_ =	shalt  }
0x67: {  	_ =	shalt  }
0x68: {  	_ =	shalt  }
0x69: {  	_ =	shalt  }
0x6a: {  	_ =	shalt  }
0x6b: {  	_ =	shalt  }
0x6c: {  	_ =	shalt  }
0x6d: {  	_ =	shalt  }
0x6e: {  	_ =	shalt  }
0x6f: {  	_ =	shalt  }
0x70: {  	_ =	shalt  }
0x71: {  	_ =	shalt  }
0x72: {  	_ =	shalt  }
0x73: {  	_ =	shalt  }
0x74: {  	_ =	shalt  }
0x75: {  	_ =	shalt  }
0x76: {  	_ =	shalt  }
0x77: {  	_ =	shalt  }
0x78: {  	_ =	shalt  }
0x79: {  	_ =	shalt  }
0x7a: {  	_ =	shalt  }
0x7b: {  	_ =	shalt  }
0x7c: {  	_ =	shalt  }
0x7d: {  	_ =	shalt  }
0x7e: {  	_ =	shalt  }
0x7f: {  	_ =	shalt  }
0x80: {  	_ =	shalt  }
0x81: {  	_ =	shalt  }
0x82: {  	_ =	shalt  }
0x83: {  	_ =	shalt  }
0x84: {  	_ =	shalt  }
0x85: {  	_ =	shalt  }
0x86: {  	_ =	shalt  }
0x87: {  	_ =	shalt  }
.Lfunc_end0:
.L_simem_size_0:
called_computation_lowered:
.L_overlay_start_0:
0x88: {  	s2 =	sld [smem:$0x3FD9]  }
0x89: {  	s3 =	sld [smem:$0x3FFE];
	_ =	sdelay $0x1  }
0x8a: {  	s1 =	srdreg.scid  }
0x8b: {  	s0 =	sand.u32 $0x1, s1  }
0x8c: {  	s18 =	sshll.u32 s0, $0xA;
	s2 =	sadd.s32 s3, s2  }
0x8d: {  	s2 =	sadd.s32 s2, s18  }
0x8e: {  	[smem:$0x3FC4] =	sst s2  }
0x8f: {  	_ = 	snop  }
0x90: {  	s2 =	sld [smem:$0x3FC9]  }
0x91: {  	s19 =	sld [smem:$0x3FC8]  }
0x92: {  	s4 =	sld [smem:$0x3FC7]  }
0x93: {  	s5 =	sld [smem:$0x3FC6]  }
0x94: {  	s6 =	sld [smem:$0x3FD0];
	(tm) =	ssettm $0x1  }
0x95: {  	s7 =	sld [smem:$0x3FFB];
	_ =	sdelay $0x3  }
0x96: {  	_ =	strace s7  }
0x97: {  	s7 =	sld [smem:$0x3FFC];
	_ =	sdelay $0x3  }
0x98: {  	_ =	strace s7  }
0x99: {  	s7 =	sld [smem:$0x3FFD];
	_ =	sdelay $0x3  }
0x9a: {  	_ =	strace s7  }
0x9b: {  	_ =	strace $0x8FFFFFFF  }
0x9c: {  	s20 =	sld [smem:$0x3FDB];
	_ =	sdelay $0x1  }
0x9d: {  	s8 =	simm.s32 $_scs_section_size  }
0x9e: {  	s9 =	simm.s32 $_size__tile_overlayer_lowered;
	s10 =	simm.s32 $_tile_overlayer_lowered  }
0x9f: {  	s23 =	simm.s32 $0x1BFF;
	s22 =	sshll.u32 s10, $0x1;
	s7 =	sadd.s32 s8, s20  }
0xa0: {  	s11 =	simm.s32 $0x0;
	s21 =	sshll.u32 s9, $0x1;
	s9 =	sadd.s32 s22, s7  }
0xa1: {  	[timem:s11], [sflag:s23] =	dma.local [hbm:s9], s21  }
0xa2: {  	_ =	swait.ge [sflag:s23], s21  }
0xa3: {  	s8 =	ssub.s32 $0x0, s21;
	[sflag:s23] =	ssyncset.done $0x0  }
0xa4: {  	[sflag:s23] =	ssyncadd.s32 s8;
	_ =	sdelay $0x1  }
0xa5: {  	s24 =	simm.s32 $0x1B8B  }
0xa6: {  	_ =	swait.ge [sflag:s24], $0x1  }
0xa7: {  	[sflag:s24] =	ssyncset.done $0x0  }
0xa8: {  	s25 =	simm.s32 $0x1B8E;
	[sflag:s24] =	ssyncadd.s32 $0xFFFFFFFF  }
0xa9: {  	s26 =	simm.s32 $execute0_lowered;
	[smem:$0x3FD2] =	sst s25  }
0xaa: {  	s8 =	sshll.u32 s26, $0x1;
	_ =	strace $0x80000046;
	[dreg:$0x1] =	wrdreg $0xFFFFFFFF  }
0xab: {  	s28 =	simm.s32 $_size_execute0_lowered;
	s7 =	sadd.s32 s7, s8;
	[dreg:$0x0] =	wrdreg $0x0  }
0xac: {  	s8 =	sshll.u32 s28, $0x1;
	[dreg:$0x2] =	wrdreg s7  }
0xad: {  	[dreg:$0x3] =	wrdreg s8  }
0xae: {  	[dreg:$0x4] =	wrdreg $0xC0  }
0xaf: {  	_ =	task [dreg:s11], $0x5FFFF  }
0xb0: {  	[dreg:$0x1] =	wrdreg $0xFFFFFFFF  }
0xb1: {  	[dreg:$0x0] =	wrdreg $0x60  }
0xb2: {  	[dreg:$0x2] =	wrdreg s2  }
0xb3: {  	[dreg:$0x3] =	wrdreg s19  }
0xb4: {  	[dreg:$0x4] =	wrdreg s4  }
0xb5: {  	[dreg:$0x5] =	wrdreg s5  }
0xb6: {  	[dreg:$0x6] =	wrdreg s6  }
0xb7: {  	[dreg:$0x7] =	wrdreg $0x2B800  }
0xb8: {  	[dreg:$0x8] =	wrdreg $0x9  }
0xb9: {  	_ =	task.clear_ibuf [dreg:s11], $0x9FFFF;
	_ =	strace $0x90000046  }
0xba: {  	s29 =	simm.s32 $0x9;
	_ =	strace $0x80000048  }
0xbb: {  	_ =	swait.ge [sflag:s29], $0x1  }
0xbc: {  	[sflag:s29] =	ssyncadd.s32 $0xFFFFFFFF  }
0xbd: {  	_ =	strace $0x90000048  }
0xbe: {  	_ =	sfence  }
0xbf: {  	s30 =	sld [smem:$0x0];
	_ =	sdelay $0x2  }
0xc0: {  	s31 =	sshll.u32 s1, $0xD;
	s1 =	sshrl.u32 s1, $0x2  }
0xc1: {  	s3 =	sand.u32 $0x4000, s31;
	s1 =	sadd.s32 s1, s30  }
0xc2: {  	s0 =	sor.u32 s3, s0;
	s1 =	sshll.u32 s1, $0x11  }
0xc3: {  	s0 =	sor.u32 s1, s0  }
0xc4: {  	s0 =	sadd.s32 $0x8F2B, s0  }
0xc5: {  	[sflag:s0] =	ssyncadd.remote.s32 $0x1  }
0xc6: {  	_ =	sfence.sel $0xFFFF  }
0xc7: {  	[dreg:$0x0] =	wrdreg $0xFFFFFFFF;
	(pc) =	sbr.abs _section_cstart, $3  }
0xc8: {  	[dreg:$0x1] =	wrdreg $0xFFFFFFFF  }
0xc9: {  	_ =	task.clear_ibuf [dreg:s11], $0x2FFFF;
	_ =	strace $0x9FFFFFFF  }
0xca: {  	(tm) =	ssettm $0x7FFFFFFF  }
0xcb: {  	_ =	shalt  }
tec
execute0_lowered:
.L_overlay_start_1:
0x0: {  	(tag) =	ssettag $0x1  }
0x1: {  	s6 =	rddreg [dreg:$0x0]  }
0x2: {  	s8 =	rddreg [dreg:$0x1]  }
0x3: {  	s1 =	rddreg [dreg:$0x2]  }
0x4: {  	s2 =	rddreg [dreg:$0x3]  }
0x5: {  	s10 =	rddreg [dreg:$0x4]  }
0x6: {  	s4 =	rddreg [dreg:$0x5]  }
0x7: {  	s0 =	rddreg [dreg:$0x6]  }
0x8: {  	s7 =	srdreg.scid;
	s3 =	stileid.u32  }
0x9: {  	s5 =	simm.s32 $0x0;
	s14 =	simm.s32 $0x1;
	s15 =	simm.s32 $0x400  }
0xa: {  	s16 =	simm.s32 $0x900;
	s17 =	simm.s32 $0x3;
	s18 =	simm.s32 $0xB00  }
0xb: {  	s19 =	simm.s32 $0x2;
	s20 =	simm.s32 $0x2B00;
	s21 =	simm.s32 $0x0  }
0xc: {  	s7 =	sand.u32 $0x1, s7;
	s9 =	sshll.u32 s3, $0x1;
	[smem:$0x7FF] =	sst s5  }
0xd: {  	v1 =	vlaneseq.u32;
	s30 =	sshll.u32 s3, $0x7;
	s31 =	sshll.u32 s3, $0x9;
	p0 =	sne.s32 s3, $0xF  }
0xe: {  	v0 =	vmul.u32 $0x8, v1;
	s11 =	ssub.s32 $0x2, s7;
	s9 =	sor.u32 s7, s9;
	_ =	strace $0x80000047  }
0xf: {  	s7 =	sadd.s32 s8, s30;
	s8 =	sadd.s32 $0x780, s8;
	s29 =	sshrl.u32 s11, $0x1  }
0x10: {  	v1 =	vmul.u32 $0x10, v1;
	s12 =	sshll.u32 s9, $0x7;
	s13 =	sshll.u32 s9, $0x4;
	s9 =	sadd.s32 s31, s4;
	v2 =	vor.u32 $0x1, v0  }
0x11: {  	v3 =	vor.u32 $0x2, v0;
	v4 =	vor.u32 $0x3, v0;
	v5 =	vor.u32 $0x4, v0;
	s11 =	ssub.s32 s11, s29;
	s6 =	sadd.s32 s6, s12;
	s10 =	sadd.s32 s10, s13  }
0x12: {  	v6 =	vor.u32 $0x5, v0;
	v7 =	vor.u32 $0x6, v0;
	v8 =	vor.u32 $0x7, v0;
	s12 =	simm.s32 $0x800;
	s13 =	simm.s32 $0x880;
	s11 =	smax.u32 s11, $0x1  }
.LBB2_1:
0x13: {  	[tilespmem:s12], [sflag:$0x1] =	stream.linear.gather [hbm4b:s1+s5], $0x80, $0x38;
	[tilespmem:$0x2D80] =	vst v63  }
0x14: {  	_ = 	snop  }
0x15: {  	[tilespmem:s5], [sflag:$0x2] =	stream.linear.gather [hbm4b:s6+s5], $0x400, $0x38;
	[tilespmem:$0x2D80] =	vst v63  }
0x16: {  	_ = 	snop  }
0x17: {  	[tilespmem:s13], [sflag:$0x2] =	stream.linear.gather [hbm4b:s2+s5], $0x80, $0x38;
	[tilespmem:$0x2D80] =	vst v63  }
0x18: {  	s22 =	simm.s32 @p0 $0x0;
	s23 =	simm.s32 @p0 $0x400  }
0x19: {  	[tilespmem:s23], [sflag:$0x1] =	stream.linear.gather @p0 [hbm4b:s7+s22], $0x400, $0x38;
	[tilespmem:$0x2D80] =	vst v63  }
0x1a: {  	s22 =	simm.s32 @p0 $0x1  }
0x1b: {  	_ =	swait.ge @p0 [sflag:s22], $0x400  }
0x1c: {  	[sflag:s22] =	ssyncset.done @p0 $0x0  }
0x1d: {  	s23 =	simm.s32 @!p0 $0x400;
	[sflag:s22] =	ssyncadd.s32 @p0 $0xFFFFFC00;
	s22 =	simm.s32 @!p0 $0x0  }
0x1e: {  	[tilespmem:s23], [sflag:$0x1] =	stream.linear.gather @!p0 [hbm4b:s8+s22], $0x280, $0x38;
	[tilespmem:$0x2D80] =	vst v63  }
0x1f: {  	s22 =	simm.s32 @!p0 $0x1  }
0x20: {  	_ =	swait.ge @!p0 [sflag:s22], $0x280  }
0x21: {  	[sflag:s22] =	ssyncset.done @!p0 $0x0  }
0x22: {  	[sflag:s22] =	ssyncadd.s32 @!p0 $0xFFFFFD80  }
0x23: {  	_ =	swait.ge [sflag:s14], $0x80  }
0x24: {  	[sflag:s14] =	ssyncset.done $0x0  }
0x25: {  	s23 =	simm.s32 $0x0;
	s22 =	simm.s32 $0xF;
	[sflag:s14] =	ssyncadd.s32 $0xFFFFFF80  }
.LBB2_2:
0x26: {  	v16 =	vld [tilespmem:$0x800]  }
0x27: {  	v15 =	vld [tilespmem:$0x810]  }
0x28: {  	v13 =	vld [tilespmem:$0x820]  }
0x29: {  	v14 =	vld [tilespmem:$0x830]  }
0x2a: {  	v12 =	vld [tilespmem:$0x840]  }
0x2b: {  	v10 =	vld [tilespmem:$0x850]  }
0x2c: {  	v11 =	vld [tilespmem:$0x860];
	_ =	sdelay $0x1  }
0x2d: {  	v18 =	vbroadcast v16, $0x0;
	v20 =	vbroadcast v15, $0x0  }
0x2e: {  	s24 =	sadd.s32 $0xFFFFFFF1, s22;
	v21 =	vbroadcast v13, $0x0;
	v22 =	vbroadcast v14, $0x0  }
0x2f: {  	v9 =	vor.u32 s24, v1;
	v23 =	vbroadcast v12, $0x0;
	v24 =	vbroadcast v10, $0x0  }
0x30: {  	v25 =	vbroadcast v11, $0x0;
	v27 =	vbroadcast v16, $0x1  }
0x31: {  	v57 =	vbroadcast v15, $0x1;
	v29 =	vbroadcast v13, $0x1  }
0x32: {  	s30 =	sadd.s32 $0xFFFFFFF2, s22;
	v30 =	vbroadcast v14, $0x1;
	v31 =	vbroadcast v12, $0x1  }
0x33: {  	v19 =	vor.u32 s30, v1;
	v61 =	vbroadcast v10, $0x1;
	v62 =	vbroadcast v11, $0x1  }
0x34: {  	v34 =	vbroadcast v16, $0x2;
	v37 =	vbroadcast v15, $0x2;
	v17 =	vld.idx.msk [tilespmem:v9+s15+$0x0], $0xffff  }
0x35: {  	s31 =	sadd.s32 $0xFFFFFFF3, s22;
	v38 =	vbroadcast v13, $0x2;
	v39 =	vbroadcast v14, $0x2  }
0x36: {  	v28 =	vor.u32 s31, v1;
	v41 =	vbroadcast v12, $0x2;
	v44 =	vbroadcast v10, $0x2  }
0x37: {  	v45 =	vbroadcast v11, $0x2;
	v48 =	vbroadcast v16, $0x3;
	v9 =	vld [tilespmem:$0x870]  }
0x38: {  	v51 =	vbroadcast v15, $0x3;
	v53 =	vbroadcast v13, $0x3;
	v19 =	vld.idx.msk [tilespmem:v19+s15+$0x0], $0xffff  }
0x39: {  	v55 =	vbroadcast v14, $0x3;
	v18 =	vmul.f32 v17, v18  }
0x3a: {  	v20 =	vmul.f32 v17, v20;
	v21 =	vmul.f32 v17, v21  }
0x3b: {  	v59 =	vld.idx.msk [tilespmem:v28+s15+$0x0], $0xffff;
	v22 =	vmul.f32 v17, v22;
	v23 =	vmul.f32 v17, v23  }
0x3c: {  	v24 =	vmul.f32 v17, v24;
	v26 =	vbroadcast v9, $0x0  }
0x3d: {  	v25 =	vmul.f32 v17, v25;
	v27 =	vmul.f32 v19, v27  }
0x3e: {  	v29 =	vmul.f32 v19, v29;
	v58 =	vmul.f32 v19, v30  }
0x3f: {  	v60 =	vmul.f32 v19, v31;
	v63 =	vbroadcast v9, $0x1  }
0x40: {  	v33 =	vmul.f32 v19, v61;
	v36 =	vmul.f32 v59, v34  }
0x41: {  	s25 =	sadd.s32 $0xFFFFFFF4, s22;
	v40 =	vmul.f32 v59, v37;
	v42 =	vmul.f32 v59, v39  }
0x42: {  	s26 =	sadd.s32 $0xFFFFFFF5, s22;
	v35 =	vor.u32 s25, v1;
	v43 =	vmul.f32 v59, v41;
	v46 =	vmul.f32 v59, v44  }
0x43: {  	s28 =	sadd.s32 $0xFFFFFFF6, s22;
	v49 =	vor.u32 s26, v1;
	v47 =	vbroadcast v9, $0x2;
	v37 =	vbroadcast v16, $0x4  }
0x44: {  	v32 =	vor.u32 s28, v1;
	v39 =	vbroadcast v15, $0x4;
	v41 =	vbroadcast v13, $0x4  }
0x45: {  	v44 =	vbroadcast v12, $0x4;
	v18 =	vadd.f32 $0.0e+00, v18;
	v20 =	vadd.f32 $0.0e+00, v20  }
0x46: {  	v34 =	vbroadcast v16, $0x6;
	v21 =	vadd.f32 $0.0e+00, v21;
	v22 =	vadd.f32 $0.0e+00, v22  }
0x47: {  	v30 =	vld.idx.msk [tilespmem:v35+s15+$0x0], $0xffff;
	v23 =	vadd.f32 $0.0e+00, v23;
	v17 =	vmul.f32 v26, v17;
	v24 =	vadd.f32 $0.0e+00, v24  }
0x48: {  	v25 =	vadd.f32 $0.0e+00, v25;
	v26 =	vmul.f32 v19, v57;
	v50 =	vmul.f32 v59, v47  }
0x49: {  	v57 =	vbroadcast v12, $0x3;
	v17 =	vadd.f32 $0.0e+00, v17;
	v18 =	vadd.f32 v27, v18  }
0x4a: {  	v20 =	vadd.f32 v26, v20;
	v26 =	vmul.f32 v19, v62;
	v19 =	vmul.f32 v19, v63  }
0x4b: {  	v23 =	vadd.f32 v60, v23;
	v60 =	vld.idx.msk [tilespmem:v49+s15+$0x0], $0xffff;
	v62 =	vbroadcast v11, $0x3;
	v49 =	vbroadcast v11, $0x4  }
0x4c: {  	v24 =	vadd.f32 v33, v24;
	v33 =	vbroadcast v9, $0x5;
	v52 =	vmul.f32 v30, v48  }
0x4d: {  	v21 =	vadd.f32 v29, v21;
	v54 =	vmul.f32 v30, v51;
	v56 =	vmul.f32 v30, v53  }
0x4e: {  	v22 =	vadd.f32 v58, v22;
	v58 =	vmul.f32 v30, v55;
	v61 =	vmul.f32 v30, v57  }
0x4f: {  	v48 =	vbroadcast v10, $0x4;
	v55 =	vbroadcast v15, $0x5;
	v25 =	vadd.f32 v26, v25  }
0x50: {  	v57 =	vbroadcast v14, $0x5;
	v17 =	vadd.f32 v19, v17;
	v18 =	vadd.f32 v36, v18  }
0x51: {  	v26 =	vmul.f32 v59, v38;
	v19 =	vadd.f32 v40, v20;
	v22 =	vadd.f32 v42, v22  }
0x52: {  	v20 =	vadd.f32 v43, v23;
	v36 =	vbroadcast v9, $0x3;
	v28 =	vmul.f32 v30, v62  }
0x53: {  	v42 =	vbroadcast v14, $0x4;
	v62 =	vbroadcast v11, $0x5;
	v21 =	vadd.f32 v26, v21  }
0x54: {  	v26 =	vmul.f32 v59, v45;
	v17 =	vadd.f32 v50, v17;
	v59 =	vbroadcast v10, $0x3  }
0x55: {  	v18 =	vadd.f32 v52, v18;
	v38 =	vmul.f32 v30, v36;
	v50 =	vbroadcast v9, $0x4  }
0x56: {  	v22 =	vadd.f32 v58, v22;
	v52 =	vbroadcast v16, $0x5;
	v58 =	vbroadcast v12, $0x5  }
0x57: {  	v20 =	vadd.f32 v61, v20;
	v61 =	vbroadcast v10, $0x5;
	v40 =	vmul.f32 v60, v37  }
0x58: {  	s30 =	sadd.s32 $0xFFFFFFF8, s22;
	v27 =	vmul.f32 v60, v39;
	v43 =	vmul.f32 v60, v41  }
0x59: {  	v35 =	vor.u32 s30, v1;
	v45 =	vmul.f32 v60, v42;
	v47 =	vmul.f32 v60, v44  }
0x5a: {  	s29 =	sadd.s32 $0xFFFFFFF7, s22;
	v23 =	vadd.f32 v46, v24;
	v46 =	vld.idx.msk [tilespmem:v32+s15+$0x0], $0xffff;
	v51 =	vmul.f32 v60, v48;
	v24 =	vmul.f32 v60, v49  }
0x5b: {  	v53 =	vor.u32 s29, v1;
	v37 =	vbroadcast v15, $0x6;
	v39 =	vbroadcast v13, $0x6  }
0x5c: {  	v19 =	vadd.f32 v54, v19;
	v41 =	vbroadcast v14, $0x6;
	v48 =	vbroadcast v11, $0x6  }
0x5d: {  	v25 =	vadd.f32 v26, v25;
	v21 =	vadd.f32 v56, v21;
	v63 =	vmul.f32 v30, v59  }
0x5e: {  	v17 =	vadd.f32 v38, v17;
	v29 =	vmul.f32 v60, v50;
	v56 =	vbroadcast v13, $0x5  }
0x5f: {  	v50 =	vbroadcast v9, $0x6;
	v18 =	vadd.f32 v40, v18;
	v54 =	vmul.f32 v46, v52  }
0x60: {  	v19 =	vadd.f32 v27, v19;
	v59 =	vmul.f32 v46, v57;
	v60 =	vmul.f32 v46, v58  }
0x61: {  	v22 =	vadd.f32 v45, v22;
	v36 =	vmul.f32 v46, v33;
	v45 =	vbroadcast v10, $0x6  }
0x62: {  	v57 =	vbroadcast v14, $0x7;
	v33 =	vbroadcast v11, $0x7;
	v23 =	vadd.f32 v63, v23  }
0x63: {  	v30 =	vld.idx.msk [tilespmem:v53+s15+$0x0], $0xffff;
	v25 =	vadd.f32 v28, v25;
	v21 =	vadd.f32 v43, v21;
	v28 =	vmul.f32 v46, v55  }
0x64: {  	v17 =	vadd.f32 v29, v17;
	v63 =	vmul.f32 v46, v61;
	v43 =	vbroadcast v12, $0x6  }
0x65: {  	v18 =	vadd.f32 v54, v18;
	v22 =	vadd.f32 v59, v22;
	v54 =	vbroadcast v15, $0x7  }
0x66: {  	v59 =	vbroadcast v12, $0x7;
	v24 =	vadd.f32 v24, v25;
	v25 =	vmul.f32 v46, v56  }
0x67: {  	v23 =	vadd.f32 v51, v23;
	v51 =	vbroadcast v16, $0x7;
	v56 =	vbroadcast v13, $0x7  }
0x68: {  	v17 =	vadd.f32 v36, v17;
	v36 =	vbroadcast v16, $0x8;
	v38 =	vmul.f32 v30, v34  }
0x69: {  	s31 =	sadd.s32 $0xFFFFFFF9, s22;
	v20 =	vadd.f32 v47, v20;
	v40 =	vmul.f32 v30, v37;
	v42 =	vmul.f32 v30, v39  }
0x6a: {  	v52 =	vor.u32 s31, v1;
	v44 =	vmul.f32 v30, v41;
	v47 =	vmul.f32 v30, v43  }
0x6b: {  	v19 =	vadd.f32 v28, v19;
	v49 =	vmul.f32 v30, v45;
	v28 =	vmul.f32 v30, v48  }
0x6c: {  	s25 =	sadd.s32 $0xFFFFFFFA, s22;
	v20 =	vadd.f32 v60, v20;
	v53 =	vmul.f32 v30, v50;
	v34 =	vbroadcast v9, $0x7  }
0x6d: {  	v37 =	vor.u32 s25, v1;
	v39 =	vbroadcast v15, $0x8;
	v41 =	vbroadcast v14, $0x8  }
0x6e: {  	v50 =	vbroadcast v16, $0x9;
	v21 =	vadd.f32 v25, v21;
	v25 =	vmul.f32 v46, v62;
	v46 =	vld.idx.msk [tilespmem:v35+s15+$0x0], $0xffff  }
0x6f: {  	v23 =	vadd.f32 v63, v23;
	v63 =	vbroadcast v10, $0x7;
	v19 =	vadd.f32 v40, v19  }
0x70: {  	v20 =	vadd.f32 v47, v20;
	v17 =	vadd.f32 v53, v17;
	v40 =	vbroadcast v13, $0x8  }
0x71: {  	v47 =	vbroadcast v11, $0x8;
	v53 =	vbroadcast v15, $0x9;
	v21 =	vadd.f32 v42, v21  }
0x72: {  	v61 =	vld.idx.msk [tilespmem:v52+s15+$0x0], $0xffff;
	v23 =	vadd.f32 v49, v23;
	v42 =	vbroadcast v12, $0x8;
	v49 =	vbroadcast v9, $0x8  }
0x73: {  	v30 =	vld.idx.msk [tilespmem:v37+s15+$0x0], $0xffff;
	v37 =	vbroadcast v9, $0x9;
	v55 =	vmul.f32 v46, v51  }
0x74: {  	v27 =	vmul.f32 v46, v54;
	v58 =	vmul.f32 v46, v56  }
0x75: {  	v60 =	vmul.f32 v46, v57;
	v62 =	vmul.f32 v46, v59  }
0x76: {  	v24 =	vadd.f32 v25, v24;
	v35 =	vmul.f32 v46, v63;
	v26 =	vmul.f32 v46, v33  }
0x77: {  	v18 =	vadd.f32 v38, v18;
	v29 =	vmul.f32 v46, v34;
	v38 =	vmul.f32 v61, v36  }
0x78: {  	v24 =	vadd.f32 v28, v24;
	v28 =	vmul.f32 v61, v39;
	v43 =	vmul.f32 v61, v40  }
0x79: {  	v22 =	vadd.f32 v44, v22;
	v44 =	vmul.f32 v61, v41;
	v45 =	vmul.f32 v61, v42  }
0x7a: {  	s26 =	sadd.s32 $0xFFFFFFFB, s22;
	v46 =	vbroadcast v10, $0x8;
	v25 =	vmul.f32 v61, v47  }
0x7b: {  	s28 =	sadd.s32 $0xFFFFFFFC, s22;
	v51 =	vor.u32 s26, v1;
	v52 =	vmul.f32 v61, v49;
	v57 =	vbroadcast v14, $0x9  }
0x7c: {  	v59 =	vbroadcast v12, $0x9;
	v39 =	vor.u32 s28, v1;
	v41 =	vbroadcast v15, $0xA  }
0x7d: {  	v33 =	vbroadcast v10, $0xB;
	v18 =	vadd.f32 v55, v18;
	v19 =	vadd.f32 v27, v19  }
0x7e: {  	v34 =	vbroadcast v11, $0xB;
	v21 =	vadd.f32 v58, v21;
	v22 =	vadd.f32 v60, v22  }
0x7f: {  	v20 =	vadd.f32 v62, v20;
	v48 =	vmul.f32 v61, v46;
	v55 =	vbroadcast v13, $0x9  }
0x80: {  	v23 =	vadd.f32 v35, v23;
	v61 =	vbroadcast v10, $0x9;
	v35 =	vbroadcast v11, $0x9  }
0x81: {  	v24 =	vadd.f32 v26, v24;
	v46 =	vbroadcast v12, $0xA;
	v54 =	vmul.f32 v30, v50  }
0x82: {  	v17 =	vadd.f32 v29, v17;
	v56 =	vmul.f32 v30, v53;
	v58 =	vmul.f32 v30, v55  }
0x83: {  	v18 =	vadd.f32 v38, v18;
	v60 =	vmul.f32 v30, v57;
	v63 =	vmul.f32 v30, v59  }
0x84: {  	v19 =	vadd.f32 v28, v19;
	v36 =	vmul.f32 v30, v61;
	v28 =	vmul.f32 v30, v35  }
0x85: {  	v21 =	vadd.f32 v43, v21;
	v38 =	vbroadcast v16, $0xA;
	v40 =	vmul.f32 v30, v37  }
0x86: {  	v22 =	vadd.f32 v44, v22;
	v43 =	vbroadcast v13, $0xA;
	v44 =	vbroadcast v14, $0xA  }
0x87: {  	v17 =	vadd.f32 v52, v17;
	v50 =	vbroadcast v10, $0xA;
	v52 =	vbroadcast v9, $0xA  }
0x88: {  	v23 =	vadd.f32 v48, v23;
	v57 =	vbroadcast v15, $0xB;
	v59 =	vbroadcast v14, $0xB;
	v62 =	vld.idx.msk [tilespmem:v51+s15+$0x0], $0xffff  }
0x89: {  	v37 =	vbroadcast v16, $0xC;
	v51 =	vbroadcast v11, $0xA;
	v18 =	vadd.f32 v54, v18  }
0x8a: {  	v21 =	vadd.f32 v58, v21;
	v22 =	vadd.f32 v60, v22;
	v54 =	vbroadcast v16, $0xB  }
0x8b: {  	v23 =	vadd.f32 v36, v23;
	v58 =	vbroadcast v13, $0xB;
	v60 =	vbroadcast v12, $0xB  }
0x8c: {  	v48 =	vld.idx.msk [tilespmem:v39+s15+$0x0], $0xffff;
	v17 =	vadd.f32 v40, v17;
	v36 =	vbroadcast v9, $0xB;
	v40 =	vbroadcast v15, $0xC  }
0x8d: {  	v20 =	vadd.f32 v45, v20;
	v42 =	vmul.f32 v62, v38;
	v27 =	vmul.f32 v62, v41  }
0x8e: {  	s29 =	sadd.s32 $0xFFFFFFFD, s22;
	v24 =	vadd.f32 v25, v24;
	v45 =	vmul.f32 v62, v43;
	v47 =	vmul.f32 v62, v44  }
0x8f: {  	v55 =	vor.u32 s29, v1;
	v49 =	vmul.f32 v62, v46;
	v53 =	vmul.f32 v62, v50  }
0x90: {  	v19 =	vadd.f32 v56, v19;
	v26 =	vmul.f32 v62, v51;
	v29 =	vmul.f32 v62, v52  }
0x91: {  	v24 =	vadd.f32 v28, v24;
	v56 =	vmul.f32 v48, v54;
	v28 =	vmul.f32 v48, v57  }
0x92: {  	v61 =	vmul.f32 v48, v58;
	v62 =	vmul.f32 v48, v59  }
0x93: {  	v20 =	vadd.f32 v63, v20;
	v63 =	vmul.f32 v48, v60;
	v35 =	vmul.f32 v48, v33  }
0x94: {  	s31 =	sadd.s32 $0xFFFFFFFF, s22;
	v25 =	vmul.f32 v48, v34;
	v39 =	vmul.f32 v48, v36  }
0x95: {  	s30 =	sadd.s32 $0xFFFFFFFE, s22;
	v30 =	vld.idx.msk [tilespmem:v55+s15+$0x0], $0xffff;
	v55 =	vor.u32 s31, v1;
	v44 =	vbroadcast v14, $0xC;
	v46 =	vbroadcast v12, $0xC  }
0x96: {  	v38 =	vor.u32 s30, v1;
	v48 =	vbroadcast v10, $0xC;
	v51 =	vbroadcast v11, $0xC  }
0x97: {  	v54 =	vbroadcast v16, $0xD;
	v57 =	vbroadcast v15, $0xD;
	v18 =	vadd.f32 v42, v18  }
0x98: {  	v59 =	vbroadcast v13, $0xD;
	v19 =	vadd.f32 v27, v19;
	v21 =	vadd.f32 v45, v21  }
0x99: {  	v60 =	vbroadcast v14, $0xD;
	v22 =	vadd.f32 v47, v22;
	v20 =	vadd.f32 v49, v20  }
0x9a: {  	v36 =	vbroadcast v11, $0xD;
	v23 =	vadd.f32 v53, v23;
	v24 =	vadd.f32 v26, v24  }
0x9b: {  	v17 =	vadd.f32 v29, v17;
	v42 =	vbroadcast v13, $0xC;
	v53 =	vbroadcast v9, $0xC  }
0x9c: {  	v18 =	vadd.f32 v56, v18;
	v19 =	vadd.f32 v28, v19;
	v41 =	vmul.f32 v30, v37  }
0x9d: {  	v21 =	vadd.f32 v61, v21;
	v43 =	vmul.f32 v30, v40;
	v45 =	vmul.f32 v30, v42  }
0x9e: {  	v22 =	vadd.f32 v62, v22;
	v47 =	vmul.f32 v30, v44;
	v50 =	vmul.f32 v30, v46  }
0x9f: {  	v20 =	vadd.f32 v63, v20;
	v52 =	vmul.f32 v30, v48;
	v28 =	vmul.f32 v30, v51  }
0xa0: {  	v23 =	vadd.f32 v35, v23;
	v56 =	vmul.f32 v30, v53;
	v62 =	vbroadcast v12, $0xD  }
0xa1: {  	v24 =	vadd.f32 v25, v24;
	v35 =	vbroadcast v10, $0xD;
	v37 =	vbroadcast v9, $0xD  }
0xa2: {  	v17 =	vadd.f32 v39, v17;
	v39 =	vbroadcast v16, $0xE;
	v42 =	vbroadcast v15, $0xE  }
0xa3: {  	v33 =	vld.idx.msk [tilespmem:v55+s15+$0x0], $0xffff;
	v40 =	vor.u32 s22, v1;
	v44 =	vbroadcast v14, $0xE;
	v51 =	vbroadcast v11, $0xE  }
0xa4: {  	v16 =	vbroadcast v16, $0xF;
	v53 =	vmov s23;
	v15 =	vbroadcast v15, $0xF  }
0xa5: {  	v14 =	vbroadcast v14, $0xF;
	v11 =	vbroadcast v11, $0xF;
	v19 =	vadd.f32 v43, v19  }
0xa6: {  	v49 =	vld.idx.msk [tilespmem:v38+s15+$0x0], $0xffff;
	v21 =	vadd.f32 v45, v21;
	v43 =	vbroadcast v13, $0xE;
	v45 =	vbroadcast v12, $0xE  }
0xa7: {  	v23 =	vadd.f32 v52, v23;
	v52 =	vbroadcast v9, $0xE;
	v13 =	vbroadcast v13, $0xF  }
0xa8: {  	v18 =	vadd.f32 v41, v18;
	v12 =	vbroadcast v12, $0xF;
	v41 =	vmul.f32 v33, v39  }
0xa9: {  	v24 =	vadd.f32 v28, v24;
	v28 =	vmul.f32 v33, v42;
	v46 =	vmul.f32 v33, v43  }
0xaa: {  	v22 =	vadd.f32 v47, v22;
	v47 =	vmul.f32 v33, v44;
	v48 =	vmul.f32 v33, v45  }
0xab: {  	v55 =	vshrl.u32 v53, $0x7;
	v58 =	vmul.f32 v49, v54;
	v27 =	vmul.f32 v49, v57  }
0xac: {  	v20 =	vadd.f32 v50, v20;
	v61 =	vmul.f32 v49, v59;
	v63 =	vmul.f32 v49, v60  }
0xad: {  	v17 =	vadd.f32 v56, v17;
	v34 =	vmul.f32 v49, v62;
	v38 =	vmul.f32 v49, v35  }
0xae: {  	v26 =	vmul.f32 v49, v36;
	v29 =	vmul.f32 v49, v37;
	v18 =	vadd.f32 v58, v18  }
0xaf: {  	v49 =	vbroadcast v10, $0xE;
	v19 =	vadd.f32 v27, v19;
	v21 =	vadd.f32 v61, v21  }
0xb0: {  	v30 =	vld.idx.msk [tilespmem:v40+s15+$0x0], $0xffff;
	v54 =	vmul.f32 v33, v51;
	v22 =	vadd.f32 v63, v22;
	v20 =	vadd.f32 v34, v20  }
0xb1: {  	v10 =	vbroadcast v10, $0xF;
	v23 =	vadd.f32 v38, v23;
	v24 =	vadd.f32 v26, v24  }
0xb2: {  	v17 =	vadd.f32 v29, v17;
	v50 =	vmul.f32 v33, v49;
	v27 =	vmul.f32 v33, v52  }
0xb3: {  	v26 =	vshll.u32 v55, $0x7;
	v18 =	vadd.f32 v41, v18;
	v19 =	vadd.f32 v28, v19  }
0xb4: {  	v56 =	vbroadcast v26, $0x0;
	v21 =	vadd.f32 v46, v21;
	v22 =	vadd.f32 v47, v22  }
0xb5: {  	v20 =	vadd.f32 v48, v20;
	v23 =	vadd.f32 v50, v23;
	v16 =	vmul.f32 v30, v16  }
0xb6: {  	v24 =	vadd.f32 v54, v24;
	v17 =	vadd.f32 v27, v17;
	v57 =	vor.u32 v0, v56  }
0xb7: {  	v15 =	vmul.f32 v30, v15;
	v13 =	vmul.f32 v30, v13;
	v26 =	vor.u32 v2, v56  }
0xb8: {  	v14 =	vmul.f32 v30, v14;
	v12 =	vmul.f32 v30, v12;
	v58 =	vor.u32 v3, v56  }
0xb9: {  	v10 =	vmul.f32 v30, v10;
	v59 =	vor.u32 v4, v56;
	v16 =	vadd.f32 v16, v18  }
0xba: {  	v11 =	vmul.f32 v30, v11;
	v60 =	vor.u32 v5, v56;
	v15 =	vadd.f32 v15, v19  }
0xbb: {  	v61 =	vor.u32 v6, v56;
	v13 =	vadd.f32 v13, v21;
	[tilespmem:v57+s16+$0x0] =	vst.idx.msk $0xffff, v16  }
0xbc: {  	v9 =	vbroadcast v9, $0xF;
	v62 =	vor.u32 v7, v56;
	v14 =	vadd.f32 v14, v22;
	[tilespmem:v26+s16+$0x0] =	vst.idx.msk $0xffff, v15  }
0xbd: {  	p1 =	sne.s32 s22, $0x30F;
	v63 =	vor.u32 v8, v56;
	v12 =	vadd.f32 v12, v20;
	[tilespmem:v58+s16+$0x0] =	vst.idx.msk $0xffff, v13  }
.Ltmp0:
0xbe: {  	v9 =	vmul.f32 v30, v9;
	v10 =	vadd.f32 v10, v23;
	[tilespmem:v59+s16+$0x0] =	vst.idx.msk $0xffff, v14;
	(pc) =	sbr.rel @p1 .LBB2_2-.Ltmp0, $4  }
0xbf: {  	v11 =	vadd.f32 v11, v24;
	[tilespmem:v60+s16+$0x0] =	vst.idx.msk $0xffff, v12  }
0xc0: {  	v9 =	vadd.f32 v9, v17;
	[tilespmem:v61+s16+$0x0] =	vst.idx.msk $0xffff, v10  }
0xc1: {  	[tilespmem:v62+s16+$0x0] =	vst.idx.msk $0xffff, v11  }
0xc2: {  	s23 =	sadd.s32 $0x80, s23;
	s22 =	sadd.s32 $0x100, s22;
	[tilespmem:v63+s16+$0x0] =	vst.idx.msk $0xffff, v9  }
0xc3: {  	[spmem:s9] =	stream.linear.scatter [tilespmem:s16], [sflag:$0x3], $0x200, $0x38;
	[tilespmem:$0x2D80] =	vst v63  }
0xc4: {  	_ =	swait.ge [sflag:s17], $0x200  }
0xc5: {  	[sflag:s17] =	ssyncset.done $0x0  }
0xc6: {  	[sflag:s17] =	ssyncadd.s32 $0xFFFFFE00  }
0xc7: {  	s22 =	simm.s32 $0x0;
	[bflag:$0x0] =	sbarrier.arrive $0xFFFF  }
0xc8: {  	v9 =	vmov s22;
	[tilespmem:s18], [sflag:$0x3] =	stream.linear.gather [spmem:s4], $0x2000, $0x38;
	[tilespmem:$0x2D80] =	vst v63  }
0xc9: {  	v9 =	vshrl.u32 v9, $0x7;
	_ =	swait.ge [sflag:s17], $0x2000  }
0xca: {  	v9 =	vshll.u32 v9, $0x7;
	[sflag:s17] =	ssyncset.done $0x0  }
0xcb: {  	v9 =	vbroadcast v9, $0x0;
	[sflag:s17] =	ssyncadd.s32 $0xFFFFE000  }
0xcc: {  	_ =	swait.ge [sflag:s19], $0x400  }
0xcd: {  	v10 =	vor.u32 v0, v9;
	[sflag:s19] =	ssyncset.done $0x0  }
0xce: {  	v11 =	vor.u32 v2, v9;
	[sflag:s19] =	ssyncadd.s32 $0xFFFFFC00  }
0xcf: {  	_ =	swait.ge [sflag:s19], $0x80  }
0xd0: {  	v12 =	vor.u32 v3, v9;
	[sflag:s19] =	ssyncset.done $0x0  }
0xd1: {  	[sflag:s19] =	ssyncadd.s32 $0xFFFFFF80  }
0xd2: {  	v13 =	vor.u32 v4, v9;
	v10 =	vld.idx.msk [tilespmem:v10+s5+$0x0], $0xffff  }
0xd3: {  	v11 =	vld.idx.msk [tilespmem:v11+s5+$0x0], $0xffff  }
0xd4: {  	v14 =	vor.u32 v5, v9  }
0xd5: {  	v15 =	vor.u32 v6, v9;
	v12 =	vld.idx.msk [tilespmem:v12+s5+$0x0], $0xffff;
	_ =	sdelay $0x1  }
0xd6: {  	v13 =	vld.idx.msk [tilespmem:v13+s5+$0x0], $0xffff;
	v10 =	vshll.u32 v10, $0x3  }
0xd7: {  	v16 =	vor.u32 v7, v9;
	v11 =	vshll.u32 v11, $0x3  }
0xd8: {  	v14 =	vld.idx.msk [tilespmem:v14+s5+$0x0], $0xffff;
	v11 =	vor.u32 $0x1, v11  }
0xd9: {  	v9 =	vor.u32 v8, v9;
	v15 =	vld.idx.msk [tilespmem:v15+s5+$0x0], $0xffff;
	v12 =	vshll.u32 v12, $0x3  }
0xda: {  	v17 =	vld.msk [tilespmem:s13+$0x0], $0xffff;
	v12 =	vor.u32 $0x2, v12  }
0xdb: {  	v13 =	vshll.u32 v13, $0x3;
	v10 =	vld.idx.msk [tilespmem:v10+s18+$0x0], $0xffff  }
0xdc: {  	v16 =	vld.idx.msk [tilespmem:v16+s5+$0x0], $0xffff;
	v13 =	vor.u32 $0x3, v13  }
0xdd: {  	v14 =	vshll.u32 v14, $0x3;
	v11 =	vld.idx.msk [tilespmem:v11+s18+$0x0], $0xffff  }
0xde: {  	v9 =	vld.idx.msk [tilespmem:v9+s5+$0x0], $0xffff;
	v14 =	vor.u32 $0x4, v14  }
0xdf: {  	v15 =	vshll.u32 v15, $0x3;
	v12 =	vld.idx.msk [tilespmem:v12+s18+$0x0], $0xffff  }
0xe0: {  	v15 =	vor.u32 $0x5, v15;
	v10 =	vadd.f32 v10, v17  }
0xe1: {  	v16 =	vshll.u32 v16, $0x3;
	v13 =	vld.idx.msk [tilespmem:v13+s18+$0x0], $0xffff  }
0xe2: {  	v16 =	vor.u32 $0x6, v16;
	v10 =	vadd.f32 v11, v10  }
0xe3: {  	v9 =	vshll.u32 v9, $0x3;
	v11 =	vld.idx.msk [tilespmem:v14+s18+$0x0], $0xffff  }
0xe4: {  	v9 =	vor.u32 $0x7, v9;
	v10 =	vadd.f32 v12, v10  }
0xe5: {  	v53 =	vld.idx.msk [tilespmem:v15+s18+$0x0], $0xffff  }
0xe6: {  	v10 =	vadd.f32 v13, v10  }
0xe7: {  	v54 =	vld.idx.msk [tilespmem:v16+s18+$0x0], $0xffff  }
0xe8: {  	v10 =	vadd.f32 v11, v10  }
0xe9: {  	v9 =	vld.idx.msk [tilespmem:v9+s18+$0x0], $0xffff  }
0xea: {  	v10 =	vadd.f32 v53, v10;
	_ =	sdelay $0x1  }
0xeb: {  	v10 =	vadd.f32 v54, v10;
	_ =	sdelay $0x1  }
0xec: {  	v9 =	vadd.f32 v9, v10;
	_ =	sdelay $0x1  }
0xed: {  	v9 =	vsub.f32 v9, v9;
	_ =	sdelay $0x1  }
0xee: {  	v9 =	vmul.f32 $1.442695020e+00, v9;
	_ =	sdelay $0x1  }
0xef: {  	(erf) = vpow2.f32 v9;
	_ =	sdelay $0x8  }
0xf0: {  	v9 =	vpop (erf)  }
0xf1: {  	(erf) = vrcp.f32 v9;
	_ =	sdelay $0x1  }
0xf2: {  	s31 =	simm.s32 $0x80  }
0xf3: {  	v10 =	vmov s31  }
0xf4: {  	v10 =	vshrl.u32 v10, $0x7  }
0xf5: {  	v10 =	vshll.u32 v10, $0x7  }
0xf6: {  	v10 =	vbroadcast v10, $0x0;
	_ =	sdelay $0x1  }
0xf7: {  	v11 =	vor.u32 v0, v10  }
0xf8: {  	v56 =	vor.u32 v2, v10;
	v55 =	vpop (erf)  }
0xf9: {  	v9 =	vmul.f32 v55, v9  }
0xfa: {  	s22 =	simm.s32 $0x2B00;
	v57 =	vor.u32 v3, v10  }
0xfb: {  	[tilespmem:s22+$0x0] =	vst v9  }
0xfc: {  	v9 =	vld.idx.msk [tilespmem:v11+s5+$0x0], $0xffff;
	v11 =	vor.u32 v4, v10  }
0xfd: {  	v13 =	vld.idx.msk [tilespmem:v56+s5+$0x0], $0xffff  }
0xfe: {  	v58 =	vor.u32 v5, v10  }
0xff: {  	v59 =	vor.u32 v6, v10;
	v12 =	vld.idx.msk [tilespmem:v57+s5+$0x0], $0xffff;
	_ =	sdelay $0x1  }
0x100: {  	v9 =	vshll.u32 v9, $0x3;
	v11 =	vld.idx.msk [tilespmem:v11+s5+$0x0], $0xffff  }
0x101: {  	v60 =	vor.u32 v7, v10;
	v13 =	vshll.u32 v13, $0x3  }
0x102: {  	v14 =	vld.idx.msk [tilespmem:v58+s5+$0x0], $0xffff;
	v13 =	vor.u32 $0x1, v13  }
0x103: {  	v10 =	vor.u32 v8, v10;
	v15 =	vld.idx.msk [tilespmem:v59+s5+$0x0], $0xffff;
	v12 =	vshll.u32 v12, $0x3  }
0x104: {  	v61 =	vld.msk [tilespmem:s13+$0x0], $0xffff;
	v12 =	vor.u32 $0x2, v12  }
0x105: {  	v9 =	vld.idx.msk [tilespmem:v9+s18+$0x0], $0xffff;
	v11 =	vshll.u32 v11, $0x3  }
0x106: {  	v16 =	vld.idx.msk [tilespmem:v60+s5+$0x0], $0xffff;
	v11 =	vor.u32 $0x3, v11  }
0x107: {  	v14 =	vshll.u32 v14, $0x3;
	v13 =	vld.idx.msk [tilespmem:v13+s18+$0x0], $0xffff  }
0x108: {  	v10 =	vld.idx.msk [tilespmem:v10+s5+$0x0], $0xffff;
	v14 =	vor.u32 $0x4, v14  }
0x109: {  	v15 =	vshll.u32 v15, $0x3;
	v12 =	vld.idx.msk [tilespmem:v12+s18+$0x0], $0xffff  }
0x10a: {  	v15 =	vor.u32 $0x5, v15;
	v9 =	vadd.f32 v9, v61  }
0x10b: {  	v16 =	vshll.u32 v16, $0x3;
	v11 =	vld.idx.msk [tilespmem:v11+s18+$0x0], $0xffff  }
0x10c: {  	v16 =	vor.u32 $0x6, v16;
	v9 =	vadd.f32 v13, v9  }
0x10d: {  	v10 =	vshll.u32 v10, $0x3;
	v62 =	vld.idx.msk [tilespmem:v14+s18+$0x0], $0xffff  }
0x10e: {  	v10 =	vor.u32 $0x7, v10;
	v9 =	vadd.f32 v12, v9  }
0x10f: {  	v63 =	vld.idx.msk [tilespmem:v15+s18+$0x0], $0xffff  }
0x110: {  	v9 =	vadd.f32 v11, v9  }
0x111: {  	v11 =	vld.idx.msk [tilespmem:v16+s18+$0x0], $0xffff  }
0x112: {  	v9 =	vadd.f32 v62, v9  }
0x113: {  	v10 =	vld.idx.msk [tilespmem:v10+s18+$0x0], $0xffff  }
0x114: {  	v9 =	vadd.f32 v63, v9;
	_ =	sdelay $0x1  }
0x115: {  	v9 =	vadd.f32 v11, v9;
	_ =	sdelay $0x1  }
0x116: {  	v9 =	vadd.f32 v10, v9;
	_ =	sdelay $0x1  }
0x117: {  	v9 =	vsub.f32 v9, v9;
	_ =	sdelay $0x1  }
0x118: {  	v9 =	vmul.f32 $1.442695020e+00, v9;
	_ =	sdelay $0x1  }
0x119: {  	(erf) = vpow2.f32 v9;
	_ =	sdelay $0x8  }
0x11a: {  	v9 =	vpop (erf)  }
0x11b: {  	(erf) = vrcp.f32 v9;
	_ =	sdelay $0x1  }
0x11c: {  	s23 =	simm.s32 $0x100  }
0x11d: {  	v10 =	vmov s23;
	s23 =	simm.s32 $0x180  }
.LBB2_4:
0x11e: {  	p1 =	sne.s32 s23, $0x380;
	v10 =	vshrl.u32 v10, $0x7  }
0x11f: {  	v10 =	vshll.u32 v10, $0x7  }
0x120: {  	v10 =	vbroadcast v10, $0x0;
	_ =	sdelay $0x1  }
0x121: {  	v11 =	vor.u32 v0, v10  }
0x122: {  	v12 =	vor.u32 v2, v10;
	v13 =	vpop (erf)  }
0x123: {  	v9 =	vmul.f32 v13, v9  }
0x124: {  	s22 =	sadd.s32 $0x10, s22;
	v13 =	vor.u32 v3, v10  }
0x125: {  	[tilespmem:s22+$0x0] =	vst v9  }
0x126: {  	v9 =	vld.idx.msk [tilespmem:v11+s5+$0x0], $0xffff;
	v11 =	vor.u32 v4, v10  }
0x127: {  	v12 =	vld.idx.msk [tilespmem:v12+s5+$0x0], $0xffff  }
0x128: {  	v14 =	vor.u32 v5, v10  }
0x129: {  	v15 =	vor.u32 v8, v10;
	v13 =	vld.idx.msk [tilespmem:v13+s5+$0x0], $0xffff  }
0x12a: {  	v16 =	vor.u32 v6, v10  }
0x12b: {  	v10 =	vor.u32 v7, v10;
	v11 =	vld.idx.msk [tilespmem:v11+s5+$0x0], $0xffff  }
0x12c: {  	v9 =	vshll.u32 v9, $0x3  }
0x12d: {  	v12 =	vshll.u32 v12, $0x3;
	v14 =	vld.idx.msk [tilespmem:v14+s5+$0x0], $0xffff  }
0x12e: {  	v12 =	vor.u32 $0x1, v12;
	v15 =	vld.idx.msk [tilespmem:v15+s5+$0x0], $0xffff  }
0x12f: {  	v13 =	vshll.u32 v13, $0x3;
	v16 =	vld.idx.msk [tilespmem:v16+s5+$0x0], $0xffff  }
0x130: {  	v13 =	vor.u32 $0x2, v13;
	v10 =	vld.idx.msk [tilespmem:v10+s5+$0x0], $0xffff  }
0x131: {  	v11 =	vshll.u32 v11, $0x3;
	v9 =	vld.idx.msk [tilespmem:v9+s18+$0x0], $0xffff  }
0x132: {  	v11 =	vor.u32 $0x3, v11;
	v17 =	vld.msk [tilespmem:s13+$0x0], $0xffff  }
0x133: {  	v14 =	vshll.u32 v14, $0x3;
	v12 =	vld.idx.msk [tilespmem:v12+s18+$0x0], $0xffff  }
0x134: {  	v14 =	vor.u32 $0x4, v14  }
0x135: {  	v16 =	vshll.u32 v16, $0x3;
	v13 =	vld.idx.msk [tilespmem:v13+s18+$0x0], $0xffff  }
0x136: {  	v16 =	vor.u32 $0x5, v16  }
0x137: {  	v10 =	vshll.u32 v10, $0x3;
	v9 =	vadd.f32 v9, v17;
	v11 =	vld.idx.msk [tilespmem:v11+s18+$0x0], $0xffff  }
0x138: {  	v10 =	vor.u32 $0x6, v10  }
0x139: {  	v9 =	vadd.f32 v12, v9;
	v12 =	vld.idx.msk [tilespmem:v14+s18+$0x0], $0xffff;
	v14 =	vshll.u32 v15, $0x3  }
0x13a: {  	v14 =	vor.u32 $0x7, v14  }
0x13b: {  	v9 =	vadd.f32 v13, v9;
	v13 =	vld.idx.msk [tilespmem:v16+s18+$0x0], $0xffff;
	_ =	sdelay $0x1  }
0x13c: {  	v9 =	vadd.f32 v11, v9;
	v10 =	vld.idx.msk [tilespmem:v10+s18+$0x0], $0xffff;
	_ =	sdelay $0x1  }
0x13d: {  	v9 =	vadd.f32 v12, v9;
	v11 =	vld.idx.msk [tilespmem:v14+s18+$0x0], $0xffff;
	_ =	sdelay $0x1  }
0x13e: {  	v9 =	vadd.f32 v13, v9;
	_ =	sdelay $0x1  }
0x13f: {  	v9 =	vadd.f32 v10, v9;
	_ =	sdelay $0x1  }
0x140: {  	v9 =	vadd.f32 v11, v9;
	_ =	sdelay $0x1  }
0x141: {  	v9 =	vsub.f32 v9, v9;
	_ =	sdelay $0x1  }
0x142: {  	v9 =	vmul.f32 $1.442695020e+00, v9;
	_ =	sdelay $0x1  }
0x143: {  	(erf) = vpow2.f32 v9;
	_ =	sdelay $0x8  }
.Ltmp1:
0x144: {  	v9 =	vpop (erf);
	(pc) =	sbr.rel @p1 .LBB2_4-.Ltmp1, $2  }
0x145: {  	(erf) = vrcp.f32 v9;
	_ =	sdelay $0x2  }
0x146: {  	v10 =	vmov s23;
	s23 =	sadd.s32 $0x80, s23  }
0x147: {  	v10 =	vshrl.u32 v10, $0x7  }
0x148: {  	v10 =	vshll.u32 v10, $0x7  }
0x149: {  	v10 =	vbroadcast v10, $0x0;
	_ =	sdelay $0x1  }
0x14a: {  	v11 =	vor.u32 v0, v10  }
0x14b: {  	v13 =	vor.u32 v2, v10;
	v12 =	vpop (erf)  }
0x14c: {  	v9 =	vmul.f32 v12, v9  }
0x14d: {  	s22 =	sadd.s32 $0x10, s22;
	v61 =	vor.u32 v3, v10  }
0x14e: {  	[tilespmem:s22+$0x0] =	vst v9  }
0x14f: {  	v9 =	vld.idx.msk [tilespmem:v11+s5+$0x0], $0xffff;
	v11 =	vor.u32 v4, v10  }
0x150: {  	v13 =	vld.idx.msk [tilespmem:v13+s5+$0x0], $0xffff  }
0x151: {  	v14 =	vor.u32 v5, v10  }
0x152: {  	v15 =	vor.u32 v6, v10;
	v12 =	vld.idx.msk [tilespmem:v61+s5+$0x0], $0xffff;
	_ =	sdelay $0x1  }
0x153: {  	v9 =	vshll.u32 v9, $0x3;
	v11 =	vld.idx.msk [tilespmem:v11+s5+$0x0], $0xffff  }
0x154: {  	v16 =	vor.u32 v7, v10;
	v13 =	vshll.u32 v13, $0x3  }
0x155: {  	v14 =	vld.idx.msk [tilespmem:v14+s5+$0x0], $0xffff;
	v13 =	vor.u32 $0x1, v13  }
0x156: {  	v10 =	vor.u32 v8, v10;
	v15 =	vld.idx.msk [tilespmem:v15+s5+$0x0], $0xffff;
	v12 =	vshll.u32 v12, $0x3  }
0x157: {  	v17 =	vld.msk [tilespmem:s13+$0x0], $0xffff;
	v12 =	vor.u32 $0x2, v12  }
0x158: {  	v9 =	vld.idx.msk [tilespmem:v9+s18+$0x0], $0xffff;
	v11 =	vshll.u32 v11, $0x3  }
0x159: {  	v16 =	vld.idx.msk [tilespmem:v16+s5+$0x0], $0xffff;
	v11 =	vor.u32 $0x3, v11  }
0x15a: {  	v14 =	vshll.u32 v14, $0x3;
	v13 =	vld.idx.msk [tilespmem:v13+s18+$0x0], $0xffff  }
0x15b: {  	v10 =	vld.idx.msk [tilespmem:v10+s5+$0x0], $0xffff;
	v14 =	vor.u32 $0x4, v14  }
0x15c: {  	v15 =	vshll.u32 v15, $0x3;
	v12 =	vld.idx.msk [tilespmem:v12+s18+$0x0], $0xffff  }
0x15d: {  	v15 =	vor.u32 $0x5, v15;
	v9 =	vadd.f32 v9, v17  }
0x15e: {  	v16 =	vshll.u32 v16, $0x3;
	v11 =	vld.idx.msk [tilespmem:v11+s18+$0x0], $0xffff  }
0x15f: {  	v16 =	vor.u32 $0x6, v16;
	v9 =	vadd.f32 v13, v9  }
0x160: {  	v10 =	vshll.u32 v10, $0x3;
	v62 =	vld.idx.msk [tilespmem:v14+s18+$0x0], $0xffff  }
0x161: {  	v10 =	vor.u32 $0x7, v10;
	v9 =	vadd.f32 v12, v9  }
0x162: {  	v63 =	vld.idx.msk [tilespmem:v15+s18+$0x0], $0xffff  }
0x163: {  	v9 =	vadd.f32 v11, v9  }
0x164: {  	v11 =	vld.idx.msk [tilespmem:v16+s18+$0x0], $0xffff  }
0x165: {  	v9 =	vadd.f32 v62, v9  }
0x166: {  	v10 =	vld.idx.msk [tilespmem:v10+s18+$0x0], $0xffff  }
0x167: {  	v9 =	vadd.f32 v63, v9;
	_ =	sdelay $0x1  }
0x168: {  	v9 =	vadd.f32 v11, v9;
	_ =	sdelay $0x1  }
0x169: {  	v9 =	vadd.f32 v10, v9;
	_ =	sdelay $0x1  }
0x16a: {  	v9 =	vsub.f32 v9, v9;
	_ =	sdelay $0x1  }
0x16b: {  	v9 =	vmul.f32 $1.442695020e+00, v9;
	_ =	sdelay $0x1  }
0x16c: {  	(erf) = vpow2.f32 v9;
	_ =	sdelay $0x8  }
0x16d: {  	v9 =	vpop (erf)  }
0x16e: {  	(erf) = vrcp.f32 v9;
	_ =	sdelay $0x8  }
0x16f: {  	v10 =	vpop (erf)  }
0x170: {  	s21 =	sadd.s32 $0x1, s21;
	v9 =	vmul.f32 v10, v9  }
0x171: {  	p1 =	sne.s32 s21, s11;
	s22 =	sadd.s32 $0x10, s22  }
.Ltmp2:
0x172: {  	[tilespmem:s22+$0x0] =	vst v9;
	(pc) =	sbr.rel @p1 .LBB2_1-.Ltmp2, $4  }
0x173: {  	[hbm4b:s10+s5] =	stream.linear.scatter [tilespmem:s20], [sflag:$0x3], $0x80, $0x38;
	[tilespmem:$0x2D80] =	vst v63  }
0x174: {  	_ =	swait.ge [sflag:s17], $0x80  }
0x175: {  	[sflag:s17] =	ssyncset.done $0x0  }
0x176: {  	[sflag:s17] =	ssyncadd.s32 $0xFFFFFF80  }
0x177: {  	_ =	sfence.sel $0x180000  }
0x178: {  	[bflag:$0x0] =	sbarrier.arrive $0xFFFF  }
0x179: {  	p0 =	sne.s32 s3, $0x0;
	_ =	strace $0x90000047  }
0x17a: {  	s0 =	sadd.s32 @!p0 $0x100000, s0;
	[bflag:$0x2] =	sbarrier.arrive $0xFFFF  }
0x17b: {  	[sflag:s0] =	ssyncadd.tile.s32 @!p0 $0x1;
	_ =	shalt  }
.Lfunc_end2:
_tile_overlayer_lowered:
.L_overlay_start_2:
0x17c: {  	(tag) =	ssettag $0x2  }
0x17d: {  	s0 =	rddreg [dreg:$0x0];
	s2 =	stileid.u32  }
0x17e: {  	s1 =	rddreg [dreg:$0x1];
	p0 =	sne.s32 s2, $0x0  }
0x17f: {  	s3 =	rddreg [dreg:$0x2];
	[bflag:$0x3] =	sbarrier.arrive $0xFFFF;
	s2 =	simm.s32 @!p0 $0x1C03  }
0x180: {  	[timem:s3], [sflag:s2] =	dma.local @!p0 [hbm:s0], s1  }
0x181: {  	s0 =	simm.s32 @!p0 $0x3  }
0x182: {  	_ =	swait.ge @!p0 [sflag:s0], s1  }
0x183: {  	s1 =	ssub.s32 @!p0 $0x0, s1;
	[sflag:s0] =	ssyncset.done @!p0 $0x0  }
0x184: {  	[sflag:s0] =	ssyncadd.s32 @!p0 s1  }
0x185: {  	[bflag:$0x3] =	sbarrier.arrive $0xFFFF  }
0x186: {  	_ =	shalt  }

</sc_bundles>
